<compile_context>
chip_gen: v7x
topology: tpu7x:2x2x1
jax: 0.10.2.dev20260603
libtpu: 0.0.44.dev20260713+nightly
codegen_flags: <defaults>
</compile_context>

<pallas_src>
import functools

import jax
import jax.numpy as jnp
from jax import lax
from jax.experimental import pallas as pl
from jax.experimental.pallas import tpu as pltpu
from jax.experimental.pallas import tpu_sc as plsc

N = 10000
E = 320000
IN = 128
HID = 128
R = 4

NC = 2
NS = 16
L = 16
B = 128
EPS = 20480
E_PAD = NS * EPS
CHUNKS = EPS // B
ROWS_C = 5120
NA = ROWS_C + 128
RPT = NA // NS


def _mm_body(feat_ref, w0_ref, b0_ref, wr_ref, br_ref, selfh_ref, hproj_ref):
    f = feat_ref[...]
    selfh_ref[...] = jnp.dot(f, w0_ref[...],
                             preferred_element_type=jnp.float32) + b0_ref[...]
    for r in range(R):
        hproj_ref[r] = jnp.dot(f, wr_ref[r],
                               preferred_element_type=jnp.float32) + br_ref[r]


def _matmuls(feat, W0, b0r, Wr, brr):
    BN = 512
    grid = (pl.cdiv(N, BN),)
    return pl.pallas_call(
        _mm_body,
        grid=grid,
        in_specs=[
            pl.BlockSpec((BN, IN), lambda i: (i, 0)),
            pl.BlockSpec((IN, HID), lambda i: (0, 0)),
            pl.BlockSpec((1, HID), lambda i: (0, 0)),
            pl.BlockSpec((R, IN, HID), lambda i: (0, 0, 0)),
            pl.BlockSpec((R, 1, HID), lambda i: (0, 0, 0)),
        ],
        out_specs=[
            pl.BlockSpec((BN, HID), lambda i: (i, 0)),
            pl.BlockSpec((R, BN, HID), lambda i: (0, i, 0)),
        ],
        out_shape=[
            jax.ShapeDtypeStruct((N, HID), jnp.float32),
            jax.ShapeDtypeStruct((R, N, HID), jnp.float32),
        ],
    )(feat, W0, b0r, Wr, brr)


ZSZ = (80, 80, 80, 88)
ZOFF = (0, 80, 160, 240)


def _sc_body(hproj_hbm, src_hbm, rel_hbm, dst_hbm, part_hbm, degp_hbm,
             srcv, relv, rows, zbuf, deg_local, accum):
    cid = lax.axis_index("c")
    sid = lax.axis_index("s")
    zeros16 = jnp.zeros((L,), jnp.float32)
    base = cid * ROWS_C

    def _fill(i, _):
        for k in range(HID // L):
            zbuf[i, pl.ds(k * L, L)] = zeros16
        return _
    lax.fori_loop(0, max(ZSZ), _fill, None)

    for off, sz in zip(ZOFF, ZSZ):
        pltpu.sync_copy(zbuf.at[pl.ds(0, sz)],
                        accum.at[pl.ds(sid * RPT + off, sz)])

    def _zdeg(c, _):
        deg_local[pl.ds(c * L, L)] = zeros16
        return _
    lax.fori_loop(0, NA // L, _zdeg, None)

    pltpu.sync_copy(src_hbm.at[pl.ds(sid * CHUNKS, CHUNKS)], srcv)
    pltpu.sync_copy(rel_hbm.at[pl.ds(sid * CHUNKS, CHUNKS)], relv)

    def _mkidx(i, _):
        for j in range(B // L):
            s = srcv[i, pl.ds(j * L, L)]
            r = relv[i, pl.ds(j * L, L)]
            srcv[i, pl.ds(j * L, L)] = r * N + s
        return _
    lax.fori_loop(0, CHUNKS, _mkidx, None)

    pltpu.sync_copy(dst_hbm.at[pl.ds(sid * CHUNKS, CHUNKS)], relv)

    def _mkdst(i, _):
        for j in range(B // L):
            d = relv[i, pl.ds(j * L, L)] - base
            dl = jnp.where((d >= 0) & (d < ROWS_C), d, ROWS_C)
            relv[i, pl.ds(j * L, L)] = dl
        return _
    lax.fori_loop(0, CHUNKS, _mkdst, None)

    plsc.subcore_barrier()

    def _grp(g, _):
        pltpu.sync_copy(hproj_hbm.at[srcv.at[g]], rows)
        pltpu.sync_copy(rows, accum.at[relv.at[g]], add=True)
        for j in range(B // L):
            dl = relv[g, pl.ds(j * L, L)]
            cnt, last = plsc.scan_count(dl)
            plsc.addupdate_scatter(deg_local, [dl],
                                   cnt.astype(jnp.float32), mask=last)
        return _
    lax.fori_loop(0, CHUNKS, _grp, None)

    pltpu.sync_copy(deg_local, degp_hbm.at[cid, sid])

    plsc.subcore_barrier()

    for off, sz in zip(ZOFF, ZSZ):
        r0 = sid * RPT + off
        pltpu.sync_copy(accum.at[pl.ds(r0, sz)], zbuf.at[pl.ds(0, sz)])
        pltpu.sync_copy(zbuf.at[pl.ds(0, sz)],
                        part_hbm.at[cid, pl.ds(r0, sz)])


_sc_call = functools.partial(
    pl.kernel,
    out_type=(
        jax.ShapeDtypeStruct((NC, NA, HID), jnp.float32),
        jax.ShapeDtypeStruct((NC, NS, NA), jnp.float32),
    ),
    mesh=plsc.VectorSubcoreMesh(core_axis_name="c", subcore_axis_name="s"),
    compiler_params=pltpu.CompilerParams(needs_layout_passes=False),
    scratch_types=[
        pltpu.VMEM((CHUNKS, B), jnp.int32),
        pltpu.VMEM((CHUNKS, B), jnp.int32),
        pltpu.VMEM((B, HID), jnp.float32),
        pltpu.VMEM((max(ZSZ), HID), jnp.float32),
        pltpu.VMEM((NA,), jnp.float32),
        pltpu.VMEM_SHARED((NA, HID), jnp.float32),
    ],
)(_sc_body)


BN_EP = 512
BPC = ROWS_C // BN_EP


def _ep_body(selfh_ref, part_ref, deg_ref, out_ref):
    p = part_ref[0]
    deg = jnp.maximum(jnp.sum(deg_ref[0], axis=0), 1.0)
    mean = p / deg
    out_ref[...] = jnp.maximum(
        jnp.concatenate([selfh_ref[...], mean], axis=1), 0.0)


def _epilogue(self_h, partial, degp):
    grid = (pl.cdiv(N, BN_EP),)
    return pl.pallas_call(
        _ep_body,
        grid=grid,
        in_specs=[
            pl.BlockSpec((BN_EP, HID), lambda i: (i, 0)),
            pl.BlockSpec((1, BN_EP, HID), lambda i: (i // BPC, i % BPC, 0)),
            pl.BlockSpec((1, NS, BN_EP, 1), lambda i: (i // BPC, 0, i % BPC, 0)),
        ],
        out_specs=pl.BlockSpec((BN_EP, 2 * HID), lambda i: (i, 0)),
        out_shape=jax.ShapeDtypeStruct((N, 2 * HID), jnp.float32),
    )(self_h, partial, degp)


def kernel(feat, edge_index, edge_rel, W0, b0, Wr, br, Wa):
    del Wa
    b0r = b0.reshape(1, HID)
    brr = br.reshape(R, 1, HID)

    self_h, hproj = _matmuls(feat, W0, b0r, Wr, brr)
    hproj_flat = hproj.reshape(R * N, HID)

    pad = E_PAD - E
    src = jnp.concatenate([edge_index[0], jnp.zeros((pad,), jnp.int32)])
    rel = jnp.concatenate([edge_rel, jnp.zeros((pad,), jnp.int32)])
    dst = jnp.concatenate([edge_index[1], jnp.full((pad,), N, jnp.int32)])
    src2 = src.reshape(E_PAD // B, B)
    rel2 = rel.reshape(E_PAD // B, B)
    dst2 = dst.reshape(E_PAD // B, B)

    partial, degp = _sc_call(hproj_flat, src2, rel2, dst2)
    return _epilogue(self_h, partial, degp.reshape(NC, NS, NA, 1))

# --- scband reference (transcript-rebuilt; emitter-appended) ---
"""Pipeline reference for scband-small-graph-align-layer-42528766165730 (READ-ONLY COPY).

The authoritative reference and input builder live on the scoring server;
editing this copy changes nothing except your own understanding.
"""

import jax, jax.numpy as jnp
import numpy as np

N = 10000      # n_nodes
E = 320000     # n_edges
IN = 128       # in_feats
HID = 128      # n_hidden
R = 4          # 2 * num_rels relation groups (rel_layers[1..2*num_rels])


def setup_inputs(seed: int = 0) -> dict:
    key = jax.random.key(seed)
    ks = jax.random.split(key, 8)
    feat = jax.random.normal(ks[0], (N, IN), dtype=jnp.float32)
    edge_index = jax.random.randint(ks[1], (2, E), 0, N, dtype=jnp.int32)
    edge_rel = jax.random.randint(ks[2], (E,), 0, R, dtype=jnp.int32)
    # learned params: rel_layers[0].linear (self projection), rel_layers[1..R] linears,
    # and the shared self_attn Linear(2*HID, 1, bias=False) used as attn_fc
    W0 = jax.random.normal(ks[3], (IN, HID), dtype=jnp.float32) * 0.02
    b0 = jnp.zeros((HID,), dtype=jnp.float32)
    Wr = jax.random.normal(ks[4], (R, IN, HID), dtype=jnp.float32) * 0.02
    br = jnp.zeros((R, HID), dtype=jnp.float32)
    Wa = jax.random.normal(ks[5], (2 * HID, 1), dtype=jnp.float32) * 0.02
    return {"feat": feat, "edge_index": edge_index, "edge_rel": edge_rel,
            "W0": W0, "b0": b0, "Wr": Wr, "br": br, "Wa": Wa}


def reference(feat, edge_index, edge_rel, W0, b0, Wr, br, Wa):
    # smallGraphAlignLayer.forward with attn=False, node_indices=None, dropout=0.
    src = edge_index[0]
    dst = edge_index[1]
    # self_h = rel_layers[0].linear(h)
    self_h = feat @ W0 + b0                                   # [N, HID]
    # relation-specific projections (per-node, then gathered per-edge)
    h_proj = jnp.einsum('ni,rio->rno', feat, Wr) + br[:, None, :]  # [R, N, HID]
    # per-edge message z = linear_r(h_src)  (DGL g.send with RelEdgeUpdate)
    z = h_proj[edge_rel, src]                                 # [E, HID]
    # per-edge e = leaky_relu(attn_fc(cat(z, self_h_dst))) -- computed in send,
    # unused by the mean-reduce branch of reduce() (no 'm' in mailbox when attn=False)
    e = jax.nn.leaky_relu(jnp.concatenate([z, self_h[dst]], axis=1) @ Wa, 0.01)
    _ = e
    # reduce(): z_node = cat(node.data['h'](=self_h), mean over mailbox z)
    deg = jnp.zeros((N,), jnp.float32).at[dst].add(1.0)
    sum_z = jnp.zeros((N, HID), jnp.float32).at[dst].add(z)
    mean_z = sum_z / jnp.clip(deg, 1.0, None)[:, None]
    # apply_node_func: activation(z)  with activation = relu
    out = jax.nn.relu(jnp.concatenate([self_h, mean_z], axis=1))  # [N, 2*HID]
    return out

if __name__ == "__main__":
    import jax
    _d = setup_inputs()
    print(jax.jit(kernel)(*tuple(_d.values())))

</pallas_src>

<mosaic_0001>
#map = affine_map<(d0, d1) -> (0, 0)>
#map1 = affine_map<(d0, d1) -> (0, 0, 0)>
module attributes {stable_mosaic.version = 14 : i64} {
  func.func @_sc_body(%arg0: i32, %arg1: i32, %arg2: memref<40000x128xf32, #tpu.memory_space<hbm>>, %arg3: memref<2560x128xi32, #tpu.memory_space<hbm>>, %arg4: memref<2560x128xi32, #tpu.memory_space<hbm>>, %arg5: memref<2560x128xi32, #tpu.memory_space<hbm>>, %arg6: memref<2x5248x128xf32, #tpu.memory_space<hbm>>, %arg7: memref<2x16x5248xf32, #tpu.memory_space<hbm>>, %arg8: memref<160x128xi32, #tpu.memory_space<vmem>>, %arg9: memref<160x128xi32, #tpu.memory_space<vmem>>, %arg10: memref<128x128xf32, #tpu.memory_space<vmem>>, %arg11: memref<88x128xf32, #tpu.memory_space<vmem>>, %arg12: memref<5248xf32, #tpu.memory_space<vmem>>, %arg13: memref<5248x128xf32, #tpu.memory_space<vmem_shared>>) attributes {dimension_semantics = [#tpu.dimension_semantics<core_parallel>, #tpu.dimension_semantics<subcore_parallel>], iteration_bounds = array<i64: 2, 16>, scalar_prefetch = 0 : i64, scratch_operands = 6 : i64, tpu.core_type = #tpu.core_type<sc_vector_subcore>, window_params = [{transform_indices = #map}, {transform_indices = #map}, {transform_indices = #map}, {transform_indices = #map}, {transform_indices = #map1}, {transform_indices = #map1}]} {
    %broadcast_in_dim3A = arith.constant 0.000000e+00 : f32
    %broadcast_in_dim3A_0 = vector.broadcast %broadcast_in_dim3A : f32 to vector<16xf32>
    %mul3A = arith.constant 5120 : i32
    %mul3A_1 = arith.muli %arg0, %mul3A : i32
    %scan3A = arith.constant 0 : i32
    %scan3A_2 = arith.constant 88 : i32
    %scan3A_3 = arith.addi %scan3A, %scan3A_2 : i32
    %scan3A_4 = arith.constant 1 : i32
    scf.for %scan3A_64 = %scan3A to %scan3A_3 step %scan3A_4  : i32 {
      %swap3A = arith.index_cast %scan3A_64 : i32 to index
      %swap3A_65 = arith.constant 0 : index
      %swap3A_66 = tpu.vector_load %arg11[%swap3A, %swap3A_65] {strides = array<i32>} : memref<88x128xf32, #tpu.memory_space<vmem>>, vector<16xf32>,
      tpu.vector_store %arg11[%swap3A, %swap3A_65], %broadcast_in_dim3A_0 {strides = array<i32>} : memref<88x128xf32, #tpu.memory_space<vmem>>, vector<16xf32>,
      %swap3A_67 = arith.index_cast %scan3A_64 : i32 to index
      %swap3A_68 = arith.constant 16 : index
      %swap3A_69 = tpu.vector_load %arg11[%swap3A_67, %swap3A_68] {strides = array<i32>} : memref<88x128xf32, #tpu.memory_space<vmem>>, vector<16xf32>,
      tpu.vector_store %arg11[%swap3A_67, %swap3A_68], %broadcast_in_dim3A_0 {strides = array<i32>} : memref<88x128xf32, #tpu.memory_space<vmem>>, vector<16xf32>,
      %swap3A_70 = arith.index_cast %scan3A_64 : i32 to index
      %swap3A_71 = arith.constant 32 : index
      %swap3A_72 = tpu.vector_load %arg11[%swap3A_70, %swap3A_71] {strides = array<i32>} : memref<88x128xf32, #tpu.memory_space<vmem>>, vector<16xf32>,
      tpu.vector_store %arg11[%swap3A_70, %swap3A_71], %broadcast_in_dim3A_0 {strides = array<i32>} : memref<88x128xf32, #tpu.memory_space<vmem>>, vector<16xf32>,
      %swap3A_73 = arith.index_cast %scan3A_64 : i32 to index
      %swap3A_74 = arith.constant 48 : index
      %swap3A_75 = tpu.vector_load %arg11[%swap3A_73, %swap3A_74] {strides = array<i32>} : memref<88x128xf32, #tpu.memory_space<vmem>>, vector<16xf32>,
      tpu.vector_store %arg11[%swap3A_73, %swap3A_74], %broadcast_in_dim3A_0 {strides = array<i32>} : memref<88x128xf32, #tpu.memory_space<vmem>>, vector<16xf32>,
      %swap3A_76 = arith.index_cast %scan3A_64 : i32 to index
      %swap3A_77 = arith.constant 64 : index
      %swap3A_78 = tpu.vector_load %arg11[%swap3A_76, %swap3A_77] {strides = array<i32>} : memref<88x128xf32, #tpu.memory_space<vmem>>, vector<16xf32>,
      tpu.vector_store %arg11[%swap3A_76, %swap3A_77], %broadcast_in_dim3A_0 {strides = array<i32>} : memref<88x128xf32, #tpu.memory_space<vmem>>, vector<16xf32>,
      %swap3A_79 = arith.index_cast %scan3A_64 : i32 to index
      %swap3A_80 = arith.constant 80 : index
      %swap3A_81 = tpu.vector_load %arg11[%swap3A_79, %swap3A_80] {strides = array<i32>} : memref<88x128xf32, #tpu.memory_space<vmem>>, vector<16xf32>,
      tpu.vector_store %arg11[%swap3A_79, %swap3A_80], %broadcast_in_dim3A_0 {strides = array<i32>} : memref<88x128xf32, #tpu.memory_space<vmem>>, vector<16xf32>,
      %swap3A_82 = arith.index_cast %scan3A_64 : i32 to index
      %swap3A_83 = arith.constant 96 : index
      %swap3A_84 = tpu.vector_load %arg11[%swap3A_82, %swap3A_83] {strides = array<i32>} : memref<88x128xf32, #tpu.memory_space<vmem>>, vector<16xf32>,
      tpu.vector_store %arg11[%swap3A_82, %swap3A_83], %broadcast_in_dim3A_0 {strides = array<i32>} : memref<88x128xf32, #tpu.memory_space<vmem>>, vector<16xf32>,
      %swap3A_85 = arith.index_cast %scan3A_64 : i32 to index
      %swap3A_86 = arith.constant 112 : index
      %swap3A_87 = tpu.vector_load %arg11[%swap3A_85, %swap3A_86] {strides = array<i32>} : memref<88x128xf32, #tpu.memory_space<vmem>>, vector<16xf32>,
      tpu.vector_store %arg11[%swap3A_85, %swap3A_86], %broadcast_in_dim3A_0 {strides = array<i32>} : memref<88x128xf32, #tpu.memory_space<vmem>>, vector<16xf32>,
    }
    %scan3A_5 = arith.constant 88 : i32
    %mul3A_6 = arith.constant 328 : i32
    %mul3A_7 = arith.muli %arg1, %mul3A_6 : i32
    %add3A = arith.constant 0 : i32
    %add3A_8 = arith.addi %mul3A_7, %add3A : i32
    "tpu.region"() ({
      %run_scoped3A = tpu.sem_alloc : memref<!tpu.dma_semaphore, #tpu.memory_space<semaphore_mem>>
      %dma_start3A = arith.constant 0 : i32
      %dma_start3A_64 = arith.constant 0 : i32
      %dma_start3A_65 = tpu.memref_slice %arg11[%dma_start3A, %dma_start3A_64] : memref<88x128xf32, #tpu.memory_space<vmem>> -> memref<80x128xf32, #tpu.memory_space<vmem>>
      %dma_start3A_66 = arith.constant 0 : i32
      %dma_start3A_67 = tpu.memref_slice %arg13[%add3A_8, %dma_start3A_66] : memref<5248x128xf32, #tpu.memory_space<vmem_shared>> -> memref<80x128xf32, #tpu.memory_space<vmem_shared>>
      %dma_start3A_68 = arith.constant 0 : i32
      %dma_start3A_69 = tpu.memref_slice %arg13[%add3A_8, %dma_start3A_68] : memref<5248x128xf32, #tpu.memory_space<vmem_shared>> -> memref<80x128xf32, #tpu.memory_space<vmem_shared>>
      %dma_start3A_70 = arith.constant 0 : i32
      %dma_start3A_71 = arith.constant 0 : i32
      %dma_start3A_72 = tpu.memref_slice %arg11[%dma_start3A_70, %dma_start3A_71] : memref<88x128xf32, #tpu.memory_space<vmem>> -> memref<80x128xf32, #tpu.memory_space<vmem>>
      tpu.enqueue_dma source(%dma_start3A_72 : memref<80x128xf32, #tpu.memory_space<vmem>>) target(%dma_start3A_69 : memref<80x128xf32, #tpu.memory_space<vmem_shared>>) target_semaphore(%run_scoped3A : memref<!tpu.dma_semaphore, #tpu.memory_space<semaphore_mem>>)
      %dma_wait3A = arith.constant 0 : i32
      %dma_wait3A_73 = arith.constant 0 : i32
      %dma_wait3A_74 = tpu.memref_slice %arg11[%dma_wait3A, %dma_wait3A_73] : memref<88x128xf32, #tpu.memory_space<vmem>> -> memref<80x128xf32, #tpu.memory_space<vmem>>
      %dma_wait3A_75 = arith.constant 0 : i32
      %dma_wait3A_76 = tpu.memref_slice %arg13[%add3A_8, %dma_wait3A_75] : memref<5248x128xf32, #tpu.memory_space<vmem_shared>> -> memref<80x128xf32, #tpu.memory_space<vmem_shared>>
      %dma_wait3A_77 = arith.constant 0 : i32
      %dma_wait3A_78 = tpu.memref_slice %arg13[%add3A_8, %dma_wait3A_77] : memref<5248x128xf32, #tpu.memory_space<vmem_shared>> -> memref<80x128xf32, #tpu.memory_space<vmem_shared>>
      %dma_wait3A_79 = arith.constant 0 : i32
      %dma_wait3A_80 = arith.constant 0 : i32
      %dma_wait3A_81 = tpu.memref_slice %arg11[%dma_wait3A_79, %dma_wait3A_80] : memref<88x128xf32, #tpu.memory_space<vmem>> -> memref<80x128xf32, #tpu.memory_space<vmem>>
      tpu.wait_dma2 semaphore(%run_scoped3A : memref<!tpu.dma_semaphore, #tpu.memory_space<semaphore_mem>>) src(%dma_wait3A_81 : memref<80x128xf32, #tpu.memory_space<vmem>>) dst(%dma_wait3A_78 : memref<80x128xf32, #tpu.memory_space<vmem_shared>>)
      tpu.yield
    }) : () -> ()
    %mul3A_9 = arith.constant 328 : i32
    %mul3A_10 = arith.muli %arg1, %mul3A_9 : i32
    %add3A_11 = arith.constant 80 : i32
    %add3A_12 = arith.addi %mul3A_10, %add3A_11 : i32
    "tpu.region"() ({
      %run_scoped3A = tpu.sem_alloc : memref<!tpu.dma_semaphore, #tpu.memory_space<semaphore_mem>>
      %dma_start3A = arith.constant 0 : i32
      %dma_start3A_64 = arith.constant 0 : i32
      %dma_start3A_65 = tpu.memref_slice %arg11[%dma_start3A, %dma_start3A_64] : memref<88x128xf32, #tpu.memory_space<vmem>> -> memref<80x128xf32, #tpu.memory_space<vmem>>
      %dma_start3A_66 = arith.constant 0 : i32
      %dma_start3A_67 = tpu.memref_slice %arg13[%add3A_12, %dma_start3A_66] : memref<5248x128xf32, #tpu.memory_space<vmem_shared>> -> memref<80x128xf32, #tpu.memory_space<vmem_shared>>
      %dma_start3A_68 = arith.constant 0 : i32
      %dma_start3A_69 = tpu.memref_slice %arg13[%add3A_12, %dma_start3A_68] : memref<5248x128xf32, #tpu.memory_space<vmem_shared>> -> memref<80x128xf32, #tpu.memory_space<vmem_shared>>
      %dma_start3A_70 = arith.constant 0 : i32
      %dma_start3A_71 = arith.constant 0 : i32
      %dma_start3A_72 = tpu.memref_slice %arg11[%dma_start3A_70, %dma_start3A_71] : memref<88x128xf32, #tpu.memory_space<vmem>> -> memref<80x128xf32, #tpu.memory_space<vmem>>
      tpu.enqueue_dma source(%dma_start3A_72 : memref<80x128xf32, #tpu.memory_space<vmem>>) target(%dma_start3A_69 : memref<80x128xf32, #tpu.memory_space<vmem_shared>>) target_semaphore(%run_scoped3A : memref<!tpu.dma_semaphore, #tpu.memory_space<semaphore_mem>>)
      %dma_wait3A = arith.constant 0 : i32
      %dma_wait3A_73 = arith.constant 0 : i32
      %dma_wait3A_74 = tpu.memref_slice %arg11[%dma_wait3A, %dma_wait3A_73] : memref<88x128xf32, #tpu.memory_space<vmem>> -> memref<80x128xf32, #tpu.memory_space<vmem>>
      %dma_wait3A_75 = arith.constant 0 : i32
      %dma_wait3A_76 = tpu.memref_slice %arg13[%add3A_12, %dma_wait3A_75] : memref<5248x128xf32, #tpu.memory_space<vmem_shared>> -> memref<80x128xf32, #tpu.memory_space<vmem_shared>>
      %dma_wait3A_77 = arith.constant 0 : i32
      %dma_wait3A_78 = tpu.memref_slice %arg13[%add3A_12, %dma_wait3A_77] : memref<5248x128xf32, #tpu.memory_space<vmem_shared>> -> memref<80x128xf32, #tpu.memory_space<vmem_shared>>
      %dma_wait3A_79 = arith.constant 0 : i32
      %dma_wait3A_80 = arith.constant 0 : i32
      %dma_wait3A_81 = tpu.memref_slice %arg11[%dma_wait3A_79, %dma_wait3A_80] : memref<88x128xf32, #tpu.memory_space<vmem>> -> memref<80x128xf32, #tpu.memory_space<vmem>>
      tpu.wait_dma2 semaphore(%run_scoped3A : memref<!tpu.dma_semaphore, #tpu.memory_space<semaphore_mem>>) src(%dma_wait3A_81 : memref<80x128xf32, #tpu.memory_space<vmem>>) dst(%dma_wait3A_78 : memref<80x128xf32, #tpu.memory_space<vmem_shared>>)
      tpu.yield
    }) : () -> ()
    %mul3A_13 = arith.constant 328 : i32
    %mul3A_14 = arith.muli %arg1, %mul3A_13 : i32
    %add3A_15 = arith.constant 160 : i32
    %add3A_16 = arith.addi %mul3A_14, %add3A_15 : i32
    "tpu.region"() ({
      %run_scoped3A = tpu.sem_alloc : memref<!tpu.dma_semaphore, #tpu.memory_space<semaphore_mem>>
      %dma_start3A = arith.constant 0 : i32
      %dma_start3A_64 = arith.constant 0 : i32
      %dma_start3A_65 = tpu.memref_slice %arg11[%dma_start3A, %dma_start3A_64] : memref<88x128xf32, #tpu.memory_space<vmem>> -> memref<80x128xf32, #tpu.memory_space<vmem>>
      %dma_start3A_66 = arith.constant 0 : i32
      %dma_start3A_67 = tpu.memref_slice %arg13[%add3A_16, %dma_start3A_66] : memref<5248x128xf32, #tpu.memory_space<vmem_shared>> -> memref<80x128xf32, #tpu.memory_space<vmem_shared>>
      %dma_start3A_68 = arith.constant 0 : i32
      %dma_start3A_69 = tpu.memref_slice %arg13[%add3A_16, %dma_start3A_68] : memref<5248x128xf32, #tpu.memory_space<vmem_shared>> -> memref<80x128xf32, #tpu.memory_space<vmem_shared>>
      %dma_start3A_70 = arith.constant 0 : i32
      %dma_start3A_71 = arith.constant 0 : i32
      %dma_start3A_72 = tpu.memref_slice %arg11[%dma_start3A_70, %dma_start3A_71] : memref<88x128xf32, #tpu.memory_space<vmem>> -> memref<80x128xf32, #tpu.memory_space<vmem>>
      tpu.enqueue_dma source(%dma_start3A_72 : memref<80x128xf32, #tpu.memory_space<vmem>>) target(%dma_start3A_69 : memref<80x128xf32, #tpu.memory_space<vmem_shared>>) target_semaphore(%run_scoped3A : memref<!tpu.dma_semaphore, #tpu.memory_space<semaphore_mem>>)
      %dma_wait3A = arith.constant 0 : i32
      %dma_wait3A_73 = arith.constant 0 : i32
      %dma_wait3A_74 = tpu.memref_slice %arg11[%dma_wait3A, %dma_wait3A_73] : memref<88x128xf32, #tpu.memory_space<vmem>> -> memref<80x128xf32, #tpu.memory_space<vmem>>
      %dma_wait3A_75 = arith.constant 0 : i32
      %dma_wait3A_76 = tpu.memref_slice %arg13[%add3A_16, %dma_wait3A_75] : memref<5248x128xf32, #tpu.memory_space<vmem_shared>> -> memref<80x128xf32, #tpu.memory_space<vmem_shared>>
      %dma_wait3A_77 = arith.constant 0 : i32
      %dma_wait3A_78 = tpu.memref_slice %arg13[%add3A_16, %dma_wait3A_77] : memref<5248x128xf32, #tpu.memory_space<vmem_shared>> -> memref<80x128xf32, #tpu.memory_space<vmem_shared>>
      %dma_wait3A_79 = arith.constant 0 : i32
      %dma_wait3A_80 = arith.constant 0 : i32
      %dma_wait3A_81 = tpu.memref_slice %arg11[%dma_wait3A_79, %dma_wait3A_80] : memref<88x128xf32, #tpu.memory_space<vmem>> -> memref<80x128xf32, #tpu.memory_space<vmem>>
      tpu.wait_dma2 semaphore(%run_scoped3A : memref<!tpu.dma_semaphore, #tpu.memory_space<semaphore_mem>>) src(%dma_wait3A_81 : memref<80x128xf32, #tpu.memory_space<vmem>>) dst(%dma_wait3A_78 : memref<80x128xf32, #tpu.memory_space<vmem_shared>>)
      tpu.yield
    }) : () -> ()
    %mul3A_17 = arith.constant 328 : i32
    %mul3A_18 = arith.muli %arg1, %mul3A_17 : i32
    %add3A_19 = arith.constant 240 : i32
    %add3A_20 = arith.addi %mul3A_18, %add3A_19 : i32
    "tpu.region"() ({
      %run_scoped3A = tpu.sem_alloc : memref<!tpu.dma_semaphore, #tpu.memory_space<semaphore_mem>>
      %dma_start3A = arith.constant 0 : i32
      %dma_start3A_64 = arith.constant 0 : i32
      %dma_start3A_65 = tpu.memref_slice %arg11[%dma_start3A, %dma_start3A_64] : memref<88x128xf32, #tpu.memory_space<vmem>> -> memref<88x128xf32, #tpu.memory_space<vmem>>
      %dma_start3A_66 = arith.constant 0 : i32
      %dma_start3A_67 = tpu.memref_slice %arg13[%add3A_20, %dma_start3A_66] : memref<5248x128xf32, #tpu.memory_space<vmem_shared>> -> memref<88x128xf32, #tpu.memory_space<vmem_shared>>
      %dma_start3A_68 = arith.constant 0 : i32
      %dma_start3A_69 = tpu.memref_slice %arg13[%add3A_20, %dma_start3A_68] : memref<5248x128xf32, #tpu.memory_space<vmem_shared>> -> memref<88x128xf32, #tpu.memory_space<vmem_shared>>
      %dma_start3A_70 = arith.constant 0 : i32
      %dma_start3A_71 = arith.constant 0 : i32
      %dma_start3A_72 = tpu.memref_slice %arg11[%dma_start3A_70, %dma_start3A_71] : memref<88x128xf32, #tpu.memory_space<vmem>> -> memref<88x128xf32, #tpu.memory_space<vmem>>
      tpu.enqueue_dma source(%dma_start3A_72 : memref<88x128xf32, #tpu.memory_space<vmem>>) target(%dma_start3A_69 : memref<88x128xf32, #tpu.memory_space<vmem_shared>>) target_semaphore(%run_scoped3A : memref<!tpu.dma_semaphore, #tpu.memory_space<semaphore_mem>>)
      %dma_wait3A = arith.constant 0 : i32
      %dma_wait3A_73 = arith.constant 0 : i32
      %dma_wait3A_74 = tpu.memref_slice %arg11[%dma_wait3A, %dma_wait3A_73] : memref<88x128xf32, #tpu.memory_space<vmem>> -> memref<88x128xf32, #tpu.memory_space<vmem>>
      %dma_wait3A_75 = arith.constant 0 : i32
      %dma_wait3A_76 = tpu.memref_slice %arg13[%add3A_20, %dma_wait3A_75] : memref<5248x128xf32, #tpu.memory_space<vmem_shared>> -> memref<88x128xf32, #tpu.memory_space<vmem_shared>>
      %dma_wait3A_77 = arith.constant 0 : i32
      %dma_wait3A_78 = tpu.memref_slice %arg13[%add3A_20, %dma_wait3A_77] : memref<5248x128xf32, #tpu.memory_space<vmem_shared>> -> memref<88x128xf32, #tpu.memory_space<vmem_shared>>
      %dma_wait3A_79 = arith.constant 0 : i32
      %dma_wait3A_80 = arith.constant 0 : i32
      %dma_wait3A_81 = tpu.memref_slice %arg11[%dma_wait3A_79, %dma_wait3A_80] : memref<88x128xf32, #tpu.memory_space<vmem>> -> memref<88x128xf32, #tpu.memory_space<vmem>>
      tpu.wait_dma2 semaphore(%run_scoped3A : memref<!tpu.dma_semaphore, #tpu.memory_space<semaphore_mem>>) src(%dma_wait3A_81 : memref<88x128xf32, #tpu.memory_space<vmem>>) dst(%dma_wait3A_78 : memref<88x128xf32, #tpu.memory_space<vmem_shared>>)
      tpu.yield
    }) : () -> ()
    %scan3A_21 = arith.constant 0 : i32
    %scan3A_22 = arith.constant 328 : i32
    %scan3A_23 = arith.addi %scan3A_21, %scan3A_22 : i32
    %scan3A_24 = arith.constant 1 : i32
    scf.for %scan3A_64 = %scan3A_21 to %scan3A_23 step %scan3A_24  : i32 {
      %mul3A_65 = arith.constant 16 : i32
      %mul3A_66 = arith.muli %scan3A_64, %mul3A_65 : i32
      %swap3A = arith.index_cast %mul3A_66 : i32 to index
      %swap3A_67 = tpu.vector_load %arg12[%swap3A] {strides = array<i32>} : memref<5248xf32, #tpu.memory_space<vmem>>, vector<16xf32>,
      tpu.vector_store %arg12[%swap3A], %broadcast_in_dim3A_0 {strides = array<i32>} : memref<5248xf32, #tpu.memory_space<vmem>>, vector<16xf32>,
    }
    %scan3A_25 = arith.constant 328 : i32
    %mul3A_26 = arith.constant 160 : i32
    %mul3A_27 = arith.muli %arg1, %mul3A_26 : i32
    "tpu.region"() ({
      %run_scoped3A = tpu.sem_alloc : memref<!tpu.dma_semaphore, #tpu.memory_space<semaphore_mem>>
      %dma_start3A = arith.constant 0 : i32
      %dma_start3A_64 = tpu.memref_slice %arg3[%mul3A_27, %dma_start3A] : memref<2560x128xi32, #tpu.memory_space<hbm>> -> memref<160x128xi32, #tpu.memory_space<hbm>>
      %dma_start3A_65 = arith.constant 0 : i32
      %dma_start3A_66 = tpu.memref_slice %arg3[%mul3A_27, %dma_start3A_65] : memref<2560x128xi32, #tpu.memory_space<hbm>> -> memref<160x128xi32, #tpu.memory_space<hbm>>
      tpu.enqueue_dma source(%dma_start3A_66 : memref<160x128xi32, #tpu.memory_space<hbm>>) target(%arg8 : memref<160x128xi32, #tpu.memory_space<vmem>>) target_semaphore(%run_scoped3A : memref<!tpu.dma_semaphore, #tpu.memory_space<semaphore_mem>>)
      %dma_wait3A = arith.constant 0 : i32
      %dma_wait3A_67 = tpu.memref_slice %arg3[%mul3A_27, %dma_wait3A] : memref<2560x128xi32, #tpu.memory_space<hbm>> -> memref<160x128xi32, #tpu.memory_space<hbm>>
      %dma_wait3A_68 = arith.constant 0 : i32
      %dma_wait3A_69 = tpu.memref_slice %arg3[%mul3A_27, %dma_wait3A_68] : memref<2560x128xi32, #tpu.memory_space<hbm>> -> memref<160x128xi32, #tpu.memory_space<hbm>>
      tpu.wait_dma2 semaphore(%run_scoped3A : memref<!tpu.dma_semaphore, #tpu.memory_space<semaphore_mem>>) src(%dma_wait3A_69 : memref<160x128xi32, #tpu.memory_space<hbm>>) dst(%arg8 : memref<160x128xi32, #tpu.memory_space<vmem>>)
      tpu.yield
    }) : () -> ()
    %mul3A_28 = arith.constant 160 : i32
    %mul3A_29 = arith.muli %arg1, %mul3A_28 : i32
    "tpu.region"() ({
      %run_scoped3A = tpu.sem_alloc : memref<!tpu.dma_semaphore, #tpu.memory_space<semaphore_mem>>
      %dma_start3A = arith.constant 0 : i32
      %dma_start3A_64 = tpu.memref_slice %arg4[%mul3A_29, %dma_start3A] : memref<2560x128xi32, #tpu.memory_space<hbm>> -> memref<160x128xi32, #tpu.memory_space<hbm>>
      %dma_start3A_65 = arith.constant 0 : i32
      %dma_start3A_66 = tpu.memref_slice %arg4[%mul3A_29, %dma_start3A_65] : memref<2560x128xi32, #tpu.memory_space<hbm>> -> memref<160x128xi32, #tpu.memory_space<hbm>>
      tpu.enqueue_dma source(%dma_start3A_66 : memref<160x128xi32, #tpu.memory_space<hbm>>) target(%arg9 : memref<160x128xi32, #tpu.memory_space<vmem>>) target_semaphore(%run_scoped3A : memref<!tpu.dma_semaphore, #tpu.memory_space<semaphore_mem>>)
      %dma_wait3A = arith.constant 0 : i32
      %dma_wait3A_67 = tpu.memref_slice %arg4[%mul3A_29, %dma_wait3A] : memref<2560x128xi32, #tpu.memory_space<hbm>> -> memref<160x128xi32, #tpu.memory_space<hbm>>
      %dma_wait3A_68 = arith.constant 0 : i32
      %dma_wait3A_69 = tpu.memref_slice %arg4[%mul3A_29, %dma_wait3A_68] : memref<2560x128xi32, #tpu.memory_space<hbm>> -> memref<160x128xi32, #tpu.memory_space<hbm>>
      tpu.wait_dma2 semaphore(%run_scoped3A : memref<!tpu.dma_semaphore, #tpu.memory_space<semaphore_mem>>) src(%dma_wait3A_69 : memref<160x128xi32, #tpu.memory_space<hbm>>) dst(%arg9 : memref<160x128xi32, #tpu.memory_space<vmem>>)
      tpu.yield
    }) : () -> ()
    %scan3A_30 = arith.constant 0 : i32
    %scan3A_31 = arith.constant 160 : i32
    %scan3A_32 = arith.addi %scan3A_30, %scan3A_31 : i32
    %scan3A_33 = arith.constant 1 : i32
    scf.for %scan3A_64 = %scan3A_30 to %scan3A_32 step %scan3A_33  : i32 {
      %get3A = arith.index_cast %scan3A_64 : i32 to index
      %get3A_65 = arith.constant 0 : index
      %get3A_66 = tpu.vector_load %arg8[%get3A, %get3A_65] {strides = array<i32>} : memref<160x128xi32, #tpu.memory_space<vmem>>, vector<16xi32>,
      %get3A_67 = arith.index_cast %scan3A_64 : i32 to index
      %get3A_68 = arith.constant 0 : index
      %get3A_69 = tpu.vector_load %arg9[%get3A_67, %get3A_68] {strides = array<i32>} : memref<160x128xi32, #tpu.memory_space<vmem>>, vector<16xi32>,
      %mul3A_70 = arith.constant 10000 : i32
      %mul3A_71 = vector.broadcast %mul3A_70 : i32 to vector<16xi32>
      %mul3A_72 = arith.muli %get3A_69, %mul3A_71 : vector<16xi32>
      %add3A_73 = arith.addi %mul3A_72, %get3A_66 : vector<16xi32>
      %swap3A = arith.index_cast %scan3A_64 : i32 to index
      %swap3A_74 = arith.constant 0 : index
      %swap3A_75 = tpu.vector_load %arg8[%swap3A, %swap3A_74] {strides = array<i32>} : memref<160x128xi32, #tpu.memory_space<vmem>>, vector<16xi32>,
      tpu.vector_store %arg8[%swap3A, %swap3A_74], %add3A_73 {strides = array<i32>} : memref<160x128xi32, #tpu.memory_space<vmem>>, vector<16xi32>,
      %get3A_76 = arith.index_cast %scan3A_64 : i32 to index
      %get3A_77 = arith.constant 16 : index
      %get3A_78 = tpu.vector_load %arg8[%get3A_76, %get3A_77] {strides = array<i32>} : memref<160x128xi32, #tpu.memory_space<vmem>>, vector<16xi32>,
      %get3A_79 = arith.index_cast %scan3A_64 : i32 to index
      %get3A_80 = arith.constant 16 : index
      %get3A_81 = tpu.vector_load %arg9[%get3A_79, %get3A_80] {strides = array<i32>} : memref<160x128xi32, #tpu.memory_space<vmem>>, vector<16xi32>,
      %mul3A_82 = arith.constant 10000 : i32
      %mul3A_83 = vector.broadcast %mul3A_82 : i32 to vector<16xi32>
      %mul3A_84 = arith.muli %get3A_81, %mul3A_83 : vector<16xi32>
      %add3A_85 = arith.addi %mul3A_84, %get3A_78 : vector<16xi32>
      %swap3A_86 = arith.index_cast %scan3A_64 : i32 to index
      %swap3A_87 = arith.constant 16 : index
      %swap3A_88 = tpu.vector_load %arg8[%swap3A_86, %swap3A_87] {strides = array<i32>} : memref<160x128xi32, #tpu.memory_space<vmem>>, vector<16xi32>,
      tpu.vector_store %arg8[%swap3A_86, %swap3A_87], %add3A_85 {strides = array<i32>} : memref<160x128xi32, #tpu.memory_space<vmem>>, vector<16xi32>,
      %get3A_89 = arith.index_cast %scan3A_64 : i32 to index
      %get3A_90 = arith.constant 32 : index
      %get3A_91 = tpu.vector_load %arg8[%get3A_89, %get3A_90] {strides = array<i32>} : memref<160x128xi32, #tpu.memory_space<vmem>>, vector<16xi32>,
      %get3A_92 = arith.index_cast %scan3A_64 : i32 to index
      %get3A_93 = arith.constant 32 : index
      %get3A_94 = tpu.vector_load %arg9[%get3A_92, %get3A_93] {strides = array<i32>} : memref<160x128xi32, #tpu.memory_space<vmem>>, vector<16xi32>,
      %mul3A_95 = arith.constant 10000 : i32
      %mul3A_96 = vector.broadcast %mul3A_95 : i32 to vector<16xi32>
      %mul3A_97 = arith.muli %get3A_94, %mul3A_96 : vector<16xi32>
      %add3A_98 = arith.addi %mul3A_97, %get3A_91 : vector<16xi32>
      %swap3A_99 = arith.index_cast %scan3A_64 : i32 to index
      %swap3A_100 = arith.constant 32 : index
      %swap3A_101 = tpu.vector_load %arg8[%swap3A_99, %swap3A_100] {strides = array<i32>} : memref<160x128xi32, #tpu.memory_space<vmem>>, vector<16xi32>,
      tpu.vector_store %arg8[%swap3A_99, %swap3A_100], %add3A_98 {strides = array<i32>} : memref<160x128xi32, #tpu.memory_space<vmem>>, vector<16xi32>,
      %get3A_102 = arith.index_cast %scan3A_64 : i32 to index
      %get3A_103 = arith.constant 48 : index
      %get3A_104 = tpu.vector_load %arg8[%get3A_102, %get3A_103] {strides = array<i32>} : memref<160x128xi32, #tpu.memory_space<vmem>>, vector<16xi32>,
      %get3A_105 = arith.index_cast %scan3A_64 : i32 to index
      %get3A_106 = arith.constant 48 : index
      %get3A_107 = tpu.vector_load %arg9[%get3A_105, %get3A_106] {strides = array<i32>} : memref<160x128xi32, #tpu.memory_space<vmem>>, vector<16xi32>,
      %mul3A_108 = arith.constant 10000 : i32
      %mul3A_109 = vector.broadcast %mul3A_108 : i32 to vector<16xi32>
      %mul3A_110 = arith.muli %get3A_107, %mul3A_109 : vector<16xi32>
      %add3A_111 = arith.addi %mul3A_110, %get3A_104 : vector<16xi32>
      %swap3A_112 = arith.index_cast %scan3A_64 : i32 to index
      %swap3A_113 = arith.constant 48 : index
      %swap3A_114 = tpu.vector_load %arg8[%swap3A_112, %swap3A_113] {strides = array<i32>} : memref<160x128xi32, #tpu.memory_space<vmem>>, vector<16xi32>,
      tpu.vector_store %arg8[%swap3A_112, %swap3A_113], %add3A_111 {strides = array<i32>} : memref<160x128xi32, #tpu.memory_space<vmem>>, vector<16xi32>,
      %get3A_115 = arith.index_cast %scan3A_64 : i32 to index
      %get3A_116 = arith.constant 64 : index
      %get3A_117 = tpu.vector_load %arg8[%get3A_115, %get3A_116] {strides = array<i32>} : memref<160x128xi32, #tpu.memory_space<vmem>>, vector<16xi32>,
      %get3A_118 = arith.index_cast %scan3A_64 : i32 to index
      %get3A_119 = arith.constant 64 : index
      %get3A_120 = tpu.vector_load %arg9[%get3A_118, %get3A_119] {strides = array<i32>} : memref<160x128xi32, #tpu.memory_space<vmem>>, vector<16xi32>,
      %mul3A_121 = arith.constant 10000 : i32
      %mul3A_122 = vector.broadcast %mul3A_121 : i32 to vector<16xi32>
      %mul3A_123 = arith.muli %get3A_120, %mul3A_122 : vector<16xi32>
      %add3A_124 = arith.addi %mul3A_123, %get3A_117 : vector<16xi32>
      %swap3A_125 = arith.index_cast %scan3A_64 : i32 to index
      %swap3A_126 = arith.constant 64 : index
      %swap3A_127 = tpu.vector_load %arg8[%swap3A_125, %swap3A_126] {strides = array<i32>} : memref<160x128xi32, #tpu.memory_space<vmem>>, vector<16xi32>,
      tpu.vector_store %arg8[%swap3A_125, %swap3A_126], %add3A_124 {strides = array<i32>} : memref<160x128xi32, #tpu.memory_space<vmem>>, vector<16xi32>,
      %get3A_128 = arith.index_cast %scan3A_64 : i32 to index
      %get3A_129 = arith.constant 80 : index
      %get3A_130 = tpu.vector_load %arg8[%get3A_128, %get3A_129] {strides = array<i32>} : memref<160x128xi32, #tpu.memory_space<vmem>>, vector<16xi32>,
      %get3A_131 = arith.index_cast %scan3A_64 : i32 to index
      %get3A_132 = arith.constant 80 : index
      %get3A_133 = tpu.vector_load %arg9[%get3A_131, %get3A_132] {strides = array<i32>} : memref<160x128xi32, #tpu.memory_space<vmem>>, vector<16xi32>,
      %mul3A_134 = arith.constant 10000 : i32
      %mul3A_135 = vector.broadcast %mul3A_134 : i32 to vector<16xi32>
      %mul3A_136 = arith.muli %get3A_133, %mul3A_135 : vector<16xi32>
      %add3A_137 = arith.addi %mul3A_136, %get3A_130 : vector<16xi32>
      %swap3A_138 = arith.index_cast %scan3A_64 : i32 to index
      %swap3A_139 = arith.constant 80 : index
      %swap3A_140 = tpu.vector_load %arg8[%swap3A_138, %swap3A_139] {strides = array<i32>} : memref<160x128xi32, #tpu.memory_space<vmem>>, vector<16xi32>,
      tpu.vector_store %arg8[%swap3A_138, %swap3A_139], %add3A_137 {strides = array<i32>} : memref<160x128xi32, #tpu.memory_space<vmem>>, vector<16xi32>,
      %get3A_141 = arith.index_cast %scan3A_64 : i32 to index
      %get3A_142 = arith.constant 96 : index
      %get3A_143 = tpu.vector_load %arg8[%get3A_141, %get3A_142] {strides = array<i32>} : memref<160x128xi32, #tpu.memory_space<vmem>>, vector<16xi32>,
      %get3A_144 = arith.index_cast %scan3A_64 : i32 to index
      %get3A_145 = arith.constant 96 : index
      %get3A_146 = tpu.vector_load %arg9[%get3A_144, %get3A_145] {strides = array<i32>} : memref<160x128xi32, #tpu.memory_space<vmem>>, vector<16xi32>,
      %mul3A_147 = arith.constant 10000 : i32
      %mul3A_148 = vector.broadcast %mul3A_147 : i32 to vector<16xi32>
      %mul3A_149 = arith.muli %get3A_146, %mul3A_148 : vector<16xi32>
      %add3A_150 = arith.addi %mul3A_149, %get3A_143 : vector<16xi32>
      %swap3A_151 = arith.index_cast %scan3A_64 : i32 to index
      %swap3A_152 = arith.constant 96 : index
      %swap3A_153 = tpu.vector_load %arg8[%swap3A_151, %swap3A_152] {strides = array<i32>} : memref<160x128xi32, #tpu.memory_space<vmem>>, vector<16xi32>,
      tpu.vector_store %arg8[%swap3A_151, %swap3A_152], %add3A_150 {strides = array<i32>} : memref<160x128xi32, #tpu.memory_space<vmem>>, vector<16xi32>,
      %get3A_154 = arith.index_cast %scan3A_64 : i32 to index
      %get3A_155 = arith.constant 112 : index
      %get3A_156 = tpu.vector_load %arg8[%get3A_154, %get3A_155] {strides = array<i32>} : memref<160x128xi32, #tpu.memory_space<vmem>>, vector<16xi32>,
      %get3A_157 = arith.index_cast %scan3A_64 : i32 to index
      %get3A_158 = arith.constant 112 : index
      %get3A_159 = tpu.vector_load %arg9[%get3A_157, %get3A_158] {strides = array<i32>} : memref<160x128xi32, #tpu.memory_space<vmem>>, vector<16xi32>,
      %mul3A_160 = arith.constant 10000 : i32
      %mul3A_161 = vector.broadcast %mul3A_160 : i32 to vector<16xi32>
      %mul3A_162 = arith.muli %get3A_159, %mul3A_161 : vector<16xi32>
      %add3A_163 = arith.addi %mul3A_162, %get3A_156 : vector<16xi32>
      %swap3A_164 = arith.index_cast %scan3A_64 : i32 to index
      %swap3A_165 = arith.constant 112 : index
      %swap3A_166 = tpu.vector_load %arg8[%swap3A_164, %swap3A_165] {strides = array<i32>} : memref<160x128xi32, #tpu.memory_space<vmem>>, vector<16xi32>,
      tpu.vector_store %arg8[%swap3A_164, %swap3A_165], %add3A_163 {strides = array<i32>} : memref<160x128xi32, #tpu.memory_space<vmem>>, vector<16xi32>,
    }
    %scan3A_34 = arith.constant 160 : i32
    %mul3A_35 = arith.constant 160 : i32
    %mul3A_36 = arith.muli %arg1, %mul3A_35 : i32
    "tpu.region"() ({
      %run_scoped3A = tpu.sem_alloc : memref<!tpu.dma_semaphore, #tpu.memory_space<semaphore_mem>>
      %dma_start3A = arith.constant 0 : i32
      %dma_start3A_64 = tpu.memref_slice %arg5[%mul3A_36, %dma_start3A] : memref<2560x128xi32, #tpu.memory_space<hbm>> -> memref<160x128xi32, #tpu.memory_space<hbm>>
      %dma_start3A_65 = arith.constant 0 : i32
      %dma_start3A_66 = tpu.memref_slice %arg5[%mul3A_36, %dma_start3A_65] : memref<2560x128xi32, #tpu.memory_space<hbm>> -> memref<160x128xi32, #tpu.memory_space<hbm>>
      tpu.enqueue_dma source(%dma_start3A_66 : memref<160x128xi32, #tpu.memory_space<hbm>>) target(%arg9 : memref<160x128xi32, #tpu.memory_space<vmem>>) target_semaphore(%run_scoped3A : memref<!tpu.dma_semaphore, #tpu.memory_space<semaphore_mem>>)
      %dma_wait3A = arith.constant 0 : i32
      %dma_wait3A_67 = tpu.memref_slice %arg5[%mul3A_36, %dma_wait3A] : memref<2560x128xi32, #tpu.memory_space<hbm>> -> memref<160x128xi32, #tpu.memory_space<hbm>>
      %dma_wait3A_68 = arith.constant 0 : i32
      %dma_wait3A_69 = tpu.memref_slice %arg5[%mul3A_36, %dma_wait3A_68] : memref<2560x128xi32, #tpu.memory_space<hbm>> -> memref<160x128xi32, #tpu.memory_space<hbm>>
      tpu.wait_dma2 semaphore(%run_scoped3A : memref<!tpu.dma_semaphore, #tpu.memory_space<semaphore_mem>>) src(%dma_wait3A_69 : memref<160x128xi32, #tpu.memory_space<hbm>>) dst(%arg9 : memref<160x128xi32, #tpu.memory_space<vmem>>)
      tpu.yield
    }) : () -> ()
    %scan3A_37 = arith.constant 0 : i32
    %scan3A_38 = arith.constant 160 : i32
    %scan3A_39 = arith.addi %scan3A_37, %scan3A_38 : i32
    %scan3A_40 = arith.constant 1 : i32
    scf.for %scan3A_64 = %scan3A_37 to %scan3A_39 step %scan3A_40  : i32 {
      %get3A = arith.index_cast %scan3A_64 : i32 to index
      %get3A_65 = arith.constant 0 : index
      %get3A_66 = tpu.vector_load %arg9[%get3A, %get3A_65] {strides = array<i32>} : memref<160x128xi32, #tpu.memory_space<vmem>>, vector<16xi32>,
      %sub3A = vector.broadcast %mul3A_1 : i32 to vector<16xi32>
      %sub3A_67 = arith.subi %get3A_66, %sub3A : vector<16xi32>
      %ge3A = arith.constant 0 : i32
      %ge3A_68 = vector.broadcast %ge3A : i32 to vector<16xi32>
      %ge3A_69 = arith.cmpi sge, %sub3A_67, %ge3A_68 : vector<16xi32>
      %lt3A = arith.constant 5120 : i32
      %lt3A_70 = vector.broadcast %lt3A : i32 to vector<16xi32>
      %lt3A_71 = arith.cmpi slt, %sub3A_67, %lt3A_70 : vector<16xi32>
      %and3A = arith.andi %ge3A_69, %lt3A_71 : vector<16xi1>
      %jit3A = arith.constant 5120 : i32
      %broadcast_in_dim3A_72 = vector.broadcast %jit3A : i32 to vector<16xi32>
      %select_n3A = arith.select %and3A, %sub3A_67, %broadcast_in_dim3A_72 : vector<16xi1>, vector<16xi32>
      %swap3A = arith.index_cast %scan3A_64 : i32 to index
      %swap3A_73 = arith.constant 0 : index
      %swap3A_74 = tpu.vector_load %arg9[%swap3A, %swap3A_73] {strides = array<i32>} : memref<160x128xi32, #tpu.memory_space<vmem>>, vector<16xi32>,
      tpu.vector_store %arg9[%swap3A, %swap3A_73], %select_n3A {strides = array<i32>} : memref<160x128xi32, #tpu.memory_space<vmem>>, vector<16xi32>,
      %get3A_75 = arith.index_cast %scan3A_64 : i32 to index
      %get3A_76 = arith.constant 16 : index
      %get3A_77 = tpu.vector_load %arg9[%get3A_75, %get3A_76] {strides = array<i32>} : memref<160x128xi32, #tpu.memory_space<vmem>>, vector<16xi32>,
      %sub3A_78 = vector.broadcast %mul3A_1 : i32 to vector<16xi32>
      %sub3A_79 = arith.subi %get3A_77, %sub3A_78 : vector<16xi32>
      %ge3A_80 = arith.constant 0 : i32
      %ge3A_81 = vector.broadcast %ge3A_80 : i32 to vector<16xi32>
      %ge3A_82 = arith.cmpi sge, %sub3A_79, %ge3A_81 : vector<16xi32>
      %lt3A_83 = arith.constant 5120 : i32
      %lt3A_84 = vector.broadcast %lt3A_83 : i32 to vector<16xi32>
      %lt3A_85 = arith.cmpi slt, %sub3A_79, %lt3A_84 : vector<16xi32>
      %and3A_86 = arith.andi %ge3A_82, %lt3A_85 : vector<16xi1>
      %jit3A_87 = arith.constant 5120 : i32
      %broadcast_in_dim3A_88 = vector.broadcast %jit3A_87 : i32 to vector<16xi32>
      %select_n3A_89 = arith.select %and3A_86, %sub3A_79, %broadcast_in_dim3A_88 : vector<16xi1>, vector<16xi32>
      %swap3A_90 = arith.index_cast %scan3A_64 : i32 to index
      %swap3A_91 = arith.constant 16 : index
      %swap3A_92 = tpu.vector_load %arg9[%swap3A_90, %swap3A_91] {strides = array<i32>} : memref<160x128xi32, #tpu.memory_space<vmem>>, vector<16xi32>,
      tpu.vector_store %arg9[%swap3A_90, %swap3A_91], %select_n3A_89 {strides = array<i32>} : memref<160x128xi32, #tpu.memory_space<vmem>>, vector<16xi32>,
      %get3A_93 = arith.index_cast %scan3A_64 : i32 to index
      %get3A_94 = arith.constant 32 : index
      %get3A_95 = tpu.vector_load %arg9[%get3A_93, %get3A_94] {strides = array<i32>} : memref<160x128xi32, #tpu.memory_space<vmem>>, vector<16xi32>,
      %sub3A_96 = vector.broadcast %mul3A_1 : i32 to vector<16xi32>
      %sub3A_97 = arith.subi %get3A_95, %sub3A_96 : vector<16xi32>
      %ge3A_98 = arith.constant 0 : i32
      %ge3A_99 = vector.broadcast %ge3A_98 : i32 to vector<16xi32>
      %ge3A_100 = arith.cmpi sge, %sub3A_97, %ge3A_99 : vector<16xi32>
      %lt3A_101 = arith.constant 5120 : i32
      %lt3A_102 = vector.broadcast %lt3A_101 : i32 to vector<16xi32>
      %lt3A_103 = arith.cmpi slt, %sub3A_97, %lt3A_102 : vector<16xi32>
      %and3A_104 = arith.andi %ge3A_100, %lt3A_103 : vector<16xi1>
      %jit3A_105 = arith.constant 5120 : i32
      %broadcast_in_dim3A_106 = vector.broadcast %jit3A_105 : i32 to vector<16xi32>
      %select_n3A_107 = arith.select %and3A_104, %sub3A_97, %broadcast_in_dim3A_106 : vector<16xi1>, vector<16xi32>
      %swap3A_108 = arith.index_cast %scan3A_64 : i32 to index
      %swap3A_109 = arith.constant 32 : index
      %swap3A_110 = tpu.vector_load %arg9[%swap3A_108, %swap3A_109] {strides = array<i32>} : memref<160x128xi32, #tpu.memory_space<vmem>>, vector<16xi32>,
      tpu.vector_store %arg9[%swap3A_108, %swap3A_109], %select_n3A_107 {strides = array<i32>} : memref<160x128xi32, #tpu.memory_space<vmem>>, vector<16xi32>,
      %get3A_111 = arith.index_cast %scan3A_64 : i32 to index
      %get3A_112 = arith.constant 48 : index
      %get3A_113 = tpu.vector_load %arg9[%get3A_111, %get3A_112] {strides = array<i32>} : memref<160x128xi32, #tpu.memory_space<vmem>>, vector<16xi32>,
      %sub3A_114 = vector.broadcast %mul3A_1 : i32 to vector<16xi32>
      %sub3A_115 = arith.subi %get3A_113, %sub3A_114 : vector<16xi32>
      %ge3A_116 = arith.constant 0 : i32
      %ge3A_117 = vector.broadcast %ge3A_116 : i32 to vector<16xi32>
      %ge3A_118 = arith.cmpi sge, %sub3A_115, %ge3A_117 : vector<16xi32>
      %lt3A_119 = arith.constant 5120 : i32
      %lt3A_120 = vector.broadcast %lt3A_119 : i32 to vector<16xi32>
      %lt3A_121 = arith.cmpi slt, %sub3A_115, %lt3A_120 : vector<16xi32>
      %and3A_122 = arith.andi %ge3A_118, %lt3A_121 : vector<16xi1>
      %jit3A_123 = arith.constant 5120 : i32
      %broadcast_in_dim3A_124 = vector.broadcast %jit3A_123 : i32 to vector<16xi32>
      %select_n3A_125 = arith.select %and3A_122, %sub3A_115, %broadcast_in_dim3A_124 : vector<16xi1>, vector<16xi32>
      %swap3A_126 = arith.index_cast %scan3A_64 : i32 to index
      %swap3A_127 = arith.constant 48 : index
      %swap3A_128 = tpu.vector_load %arg9[%swap3A_126, %swap3A_127] {strides = array<i32>} : memref<160x128xi32, #tpu.memory_space<vmem>>, vector<16xi32>,
      tpu.vector_store %arg9[%swap3A_126, %swap3A_127], %select_n3A_125 {strides = array<i32>} : memref<160x128xi32, #tpu.memory_space<vmem>>, vector<16xi32>,
      %get3A_129 = arith.index_cast %scan3A_64 : i32 to index
      %get3A_130 = arith.constant 64 : index
      %get3A_131 = tpu.vector_load %arg9[%get3A_129, %get3A_130] {strides = array<i32>} : memref<160x128xi32, #tpu.memory_space<vmem>>, vector<16xi32>,
      %sub3A_132 = vector.broadcast %mul3A_1 : i32 to vector<16xi32>
      %sub3A_133 = arith.subi %get3A_131, %sub3A_132 : vector<16xi32>
      %ge3A_134 = arith.constant 0 : i32
      %ge3A_135 = vector.broadcast %ge3A_134 : i32 to vector<16xi32>
      %ge3A_136 = arith.cmpi sge, %sub3A_133, %ge3A_135 : vector<16xi32>
      %lt3A_137 = arith.constant 5120 : i32
      %lt3A_138 = vector.broadcast %lt3A_137 : i32 to vector<16xi32>
      %lt3A_139 = arith.cmpi slt, %sub3A_133, %lt3A_138 : vector<16xi32>
      %and3A_140 = arith.andi %ge3A_136, %lt3A_139 : vector<16xi1>
      %jit3A_141 = arith.constant 5120 : i32
      %broadcast_in_dim3A_142 = vector.broadcast %jit3A_141 : i32 to vector<16xi32>
      %select_n3A_143 = arith.select %and3A_140, %sub3A_133, %broadcast_in_dim3A_142 : vector<16xi1>, vector<16xi32>
      %swap3A_144 = arith.index_cast %scan3A_64 : i32 to index
      %swap3A_145 = arith.constant 64 : index
      %swap3A_146 = tpu.vector_load %arg9[%swap3A_144, %swap3A_145] {strides = array<i32>} : memref<160x128xi32, #tpu.memory_space<vmem>>, vector<16xi32>,
      tpu.vector_store %arg9[%swap3A_144, %swap3A_145], %select_n3A_143 {strides = array<i32>} : memref<160x128xi32, #tpu.memory_space<vmem>>, vector<16xi32>,
      %get3A_147 = arith.index_cast %scan3A_64 : i32 to index
      %get3A_148 = arith.constant 80 : index
      %get3A_149 = tpu.vector_load %arg9[%get3A_147, %get3A_148] {strides = array<i32>} : memref<160x128xi32, #tpu.memory_space<vmem>>, vector<16xi32>,
      %sub3A_150 = vector.broadcast %mul3A_1 : i32 to vector<16xi32>
      %sub3A_151 = arith.subi %get3A_149, %sub3A_150 : vector<16xi32>
      %ge3A_152 = arith.constant 0 : i32
      %ge3A_153 = vector.broadcast %ge3A_152 : i32 to vector<16xi32>
      %ge3A_154 = arith.cmpi sge, %sub3A_151, %ge3A_153 : vector<16xi32>
      %lt3A_155 = arith.constant 5120 : i32
      %lt3A_156 = vector.broadcast %lt3A_155 : i32 to vector<16xi32>
      %lt3A_157 = arith.cmpi slt, %sub3A_151, %lt3A_156 : vector<16xi32>
      %and3A_158 = arith.andi %ge3A_154, %lt3A_157 : vector<16xi1>
      %jit3A_159 = arith.constant 5120 : i32
      %broadcast_in_dim3A_160 = vector.broadcast %jit3A_159 : i32 to vector<16xi32>
      %select_n3A_161 = arith.select %and3A_158, %sub3A_151, %broadcast_in_dim3A_160 : vector<16xi1>, vector<16xi32>
      %swap3A_162 = arith.index_cast %scan3A_64 : i32 to index
      %swap3A_163 = arith.constant 80 : index
      %swap3A_164 = tpu.vector_load %arg9[%swap3A_162, %swap3A_163] {strides = array<i32>} : memref<160x128xi32, #tpu.memory_space<vmem>>, vector<16xi32>,
      tpu.vector_store %arg9[%swap3A_162, %swap3A_163], %select_n3A_161 {strides = array<i32>} : memref<160x128xi32, #tpu.memory_space<vmem>>, vector<16xi32>,
      %get3A_165 = arith.index_cast %scan3A_64 : i32 to index
      %get3A_166 = arith.constant 96 : index
      %get3A_167 = tpu.vector_load %arg9[%get3A_165, %get3A_166] {strides = array<i32>} : memref<160x128xi32, #tpu.memory_space<vmem>>, vector<16xi32>,
      %sub3A_168 = vector.broadcast %mul3A_1 : i32 to vector<16xi32>
      %sub3A_169 = arith.subi %get3A_167, %sub3A_168 : vector<16xi32>
      %ge3A_170 = arith.constant 0 : i32
      %ge3A_171 = vector.broadcast %ge3A_170 : i32 to vector<16xi32>
      %ge3A_172 = arith.cmpi sge, %sub3A_169, %ge3A_171 : vector<16xi32>
      %lt3A_173 = arith.constant 5120 : i32
      %lt3A_174 = vector.broadcast %lt3A_173 : i32 to vector<16xi32>
      %lt3A_175 = arith.cmpi slt, %sub3A_169, %lt3A_174 : vector<16xi32>
      %and3A_176 = arith.andi %ge3A_172, %lt3A_175 : vector<16xi1>
      %jit3A_177 = arith.constant 5120 : i32
      %broadcast_in_dim3A_178 = vector.broadcast %jit3A_177 : i32 to vector<16xi32>
      %select_n3A_179 = arith.select %and3A_176, %sub3A_169, %broadcast_in_dim3A_178 : vector<16xi1>, vector<16xi32>
      %swap3A_180 = arith.index_cast %scan3A_64 : i32 to index
      %swap3A_181 = arith.constant 96 : index
      %swap3A_182 = tpu.vector_load %arg9[%swap3A_180, %swap3A_181] {strides = array<i32>} : memref<160x128xi32, #tpu.memory_space<vmem>>, vector<16xi32>,
      tpu.vector_store %arg9[%swap3A_180, %swap3A_181], %select_n3A_179 {strides = array<i32>} : memref<160x128xi32, #tpu.memory_space<vmem>>, vector<16xi32>,
      %get3A_183 = arith.index_cast %scan3A_64 : i32 to index
      %get3A_184 = arith.constant 112 : index
      %get3A_185 = tpu.vector_load %arg9[%get3A_183, %get3A_184] {strides = array<i32>} : memref<160x128xi32, #tpu.memory_space<vmem>>, vector<16xi32>,
      %sub3A_186 = vector.broadcast %mul3A_1 : i32 to vector<16xi32>
      %sub3A_187 = arith.subi %get3A_185, %sub3A_186 : vector<16xi32>
      %ge3A_188 = arith.constant 0 : i32
      %ge3A_189 = vector.broadcast %ge3A_188 : i32 to vector<16xi32>
      %ge3A_190 = arith.cmpi sge, %sub3A_187, %ge3A_189 : vector<16xi32>
      %lt3A_191 = arith.constant 5120 : i32
      %lt3A_192 = vector.broadcast %lt3A_191 : i32 to vector<16xi32>
      %lt3A_193 = arith.cmpi slt, %sub3A_187, %lt3A_192 : vector<16xi32>
      %and3A_194 = arith.andi %ge3A_190, %lt3A_193 : vector<16xi1>
      %jit3A_195 = arith.constant 5120 : i32
      %broadcast_in_dim3A_196 = vector.broadcast %jit3A_195 : i32 to vector<16xi32>
      %select_n3A_197 = arith.select %and3A_194, %sub3A_187, %broadcast_in_dim3A_196 : vector<16xi1>, vector<16xi32>
      %swap3A_198 = arith.index_cast %scan3A_64 : i32 to index
      %swap3A_199 = arith.constant 112 : index
      %swap3A_200 = tpu.vector_load %arg9[%swap3A_198, %swap3A_199] {strides = array<i32>} : memref<160x128xi32, #tpu.memory_space<vmem>>, vector<16xi32>,
      tpu.vector_store %arg9[%swap3A_198, %swap3A_199], %select_n3A_197 {strides = array<i32>} : memref<160x128xi32, #tpu.memory_space<vmem>>, vector<16xi32>,
    }
    %scan3A_41 = arith.constant 160 : i32
    %barrier3A = arith.constant 0 : index
    tpu.barrier barrier_id(%barrier3A)
    %scan3A_42 = arith.constant 0 : i32
    %scan3A_43 = arith.constant 160 : i32
    %scan3A_44 = arith.addi %scan3A_42, %scan3A_43 : i32
    %scan3A_45 = arith.constant 1 : i32
    scf.for %scan3A_64 = %scan3A_42 to %scan3A_44 step %scan3A_45  : i32 {
      "tpu.region"() ({
        %run_scoped3A = tpu.sem_alloc : memref<!tpu.dma_semaphore, #tpu.memory_space<semaphore_mem>>
        %dma_start3A = arith.constant 0 : i32
        %dma_start3A_126 = tpu.memref_slice %arg8[%scan3A_64, %dma_start3A] : memref<160x128xi32, #tpu.memory_space<vmem>> -> memref<1x128xi32, #tpu.memory_space<vmem>>
        %dma_start3A_127 = tpu.memref_squeeze %dma_start3A_126 : memref<1x128xi32, #tpu.memory_space<vmem>> -> memref<128xi32, #tpu.memory_space<vmem>>
        %dma_start3A_128 = arith.constant 0 : i32
        %dma_start3A_129 = arith.constant 0 : i32
        %dma_start3A_130 = tpu.memref_slice %arg2[%dma_start3A_128, %dma_start3A_129] : memref<40000x128xf32, #tpu.memory_space<hbm>> -> memref<40000x128xf32, #tpu.memory_space<hbm>>
        tpu.enqueue_indirect_dma source(%dma_start3A_130 : memref<40000x128xf32, #tpu.memory_space<hbm>>) target(%arg10 : memref<128x128xf32, #tpu.memory_space<vmem>>) offsets(%dma_start3A_127 : memref<128xi32, #tpu.memory_space<vmem>>) semaphore(%run_scoped3A : memref<!tpu.dma_semaphore, #tpu.memory_space<semaphore_mem>>)
        %dma_wait3A = arith.constant 0 : i32
        %dma_wait3A_131 = tpu.memref_slice %arg8[%scan3A_64, %dma_wait3A] : memref<160x128xi32, #tpu.memory_space<vmem>> -> memref<1x128xi32, #tpu.memory_space<vmem>>
        %dma_wait3A_132 = tpu.memref_squeeze %dma_wait3A_131 : memref<1x128xi32, #tpu.memory_space<vmem>> -> memref<128xi32, #tpu.memory_space<vmem>>
        %dma_wait3A_133 = arith.constant 0 : i32
        %dma_wait3A_134 = arith.constant 0 : i32
        %dma_wait3A_135 = tpu.memref_slice %arg2[%dma_wait3A_133, %dma_wait3A_134] : memref<40000x128xf32, #tpu.memory_space<hbm>> -> memref<40000x128xf32, #tpu.memory_space<hbm>>
        tpu.wait_indirect_dma semaphore(%run_scoped3A : memref<!tpu.dma_semaphore, #tpu.memory_space<semaphore_mem>>) src(%dma_wait3A_135 : memref<40000x128xf32, #tpu.memory_space<hbm>>) dst(%arg10 : memref<128x128xf32, #tpu.memory_space<vmem>>)
        tpu.yield
      }) : () -> ()
      "tpu.region"() ({
        %run_scoped3A = tpu.sem_alloc : memref<!tpu.dma_semaphore, #tpu.memory_space<semaphore_mem>>
        %dma_start3A = arith.constant 0 : i32
        %dma_start3A_126 = tpu.memref_slice %arg9[%scan3A_64, %dma_start3A] : memref<160x128xi32, #tpu.memory_space<vmem>> -> memref<1x128xi32, #tpu.memory_space<vmem>>
        %dma_start3A_127 = tpu.memref_squeeze %dma_start3A_126 : memref<1x128xi32, #tpu.memory_space<vmem>> -> memref<128xi32, #tpu.memory_space<vmem>>
        %dma_start3A_128 = arith.constant 0 : i32
        %dma_start3A_129 = arith.constant 0 : i32
        %dma_start3A_130 = tpu.memref_slice %arg13[%dma_start3A_128, %dma_start3A_129] : memref<5248x128xf32, #tpu.memory_space<vmem_shared>> -> memref<5248x128xf32, #tpu.memory_space<vmem_shared>>
        tpu.enqueue_indirect_dma source(%arg10 : memref<128x128xf32, #tpu.memory_space<vmem>>) target(%dma_start3A_130 : memref<5248x128xf32, #tpu.memory_space<vmem_shared>>) offsets(%dma_start3A_127 : memref<128xi32, #tpu.memory_space<vmem>>) semaphore(%run_scoped3A : memref<!tpu.dma_semaphore, #tpu.memory_space<semaphore_mem>>) {add = true}
        %dma_wait3A = arith.constant 0 : i32
        %dma_wait3A_131 = tpu.memref_slice %arg9[%scan3A_64, %dma_wait3A] : memref<160x128xi32, #tpu.memory_space<vmem>> -> memref<1x128xi32, #tpu.memory_space<vmem>>
        %dma_wait3A_132 = tpu.memref_squeeze %dma_wait3A_131 : memref<1x128xi32, #tpu.memory_space<vmem>> -> memref<128xi32, #tpu.memory_space<vmem>>
        %dma_wait3A_133 = arith.constant 0 : i32
        %dma_wait3A_134 = arith.constant 0 : i32
        %dma_wait3A_135 = tpu.memref_slice %arg13[%dma_wait3A_133, %dma_wait3A_134] : memref<5248x128xf32, #tpu.memory_space<vmem_shared>> -> memref<5248x128xf32, #tpu.memory_space<vmem_shared>>
        tpu.wait_indirect_dma semaphore(%run_scoped3A : memref<!tpu.dma_semaphore, #tpu.memory_space<semaphore_mem>>) src(%arg10 : memref<128x128xf32, #tpu.memory_space<vmem>>) dst(%dma_wait3A_135 : memref<5248x128xf32, #tpu.memory_space<vmem_shared>>)
        tpu.yield
      }) : () -> ()
      %get3A = arith.index_cast %scan3A_64 : i32 to index
      %get3A_65 = arith.constant 0 : index
      %get3A_66 = tpu.vector_load %arg9[%get3A, %get3A_65] {strides = array<i32>} : memref<160x128xi32, #tpu.memory_space<vmem>>, vector<16xi32>,
      %broadcast_in_dim3A_67 = arith.constant true
      %broadcast_in_dim3A_68 = vector.broadcast %broadcast_in_dim3A_67 : i1 to vector<16xi1>
      %unique3A, %unique3A_69 = tpu.scan_count mask(%broadcast_in_dim3A_68 : vector<16xi1>) value(%get3A_66 : vector<16xi32>) : vector<16xi1>, vector<16xi32>
      %convert_element_type3A = arith.sitofp %unique3A_69 : vector<16xi32> to vector<16xf32>
      tpu.vector_store_idx %arg12[%get3A_66], %convert_element_type3A masked %unique3A {add = true} : memref<5248xf32, #tpu.memory_space<vmem>>[vector<16xi32>], vector<16xf32>, vector<16xi1>
      %get3A_70 = arith.index_cast %scan3A_64 : i32 to index
      %get3A_71 = arith.constant 16 : index
      %get3A_72 = tpu.vector_load %arg9[%get3A_70, %get3A_71] {strides = array<i32>} : memref<160x128xi32, #tpu.memory_space<vmem>>, vector<16xi32>,
      %broadcast_in_dim3A_73 = arith.constant true
      %broadcast_in_dim3A_74 = vector.broadcast %broadcast_in_dim3A_73 : i1 to vector<16xi1>
      %unique3A_75, %unique3A_76 = tpu.scan_count mask(%broadcast_in_dim3A_74 : vector<16xi1>) value(%get3A_72 : vector<16xi32>) : vector<16xi1>, vector<16xi32>
      %convert_element_type3A_77 = arith.sitofp %unique3A_76 : vector<16xi32> to vector<16xf32>
      tpu.vector_store_idx %arg12[%get3A_72], %convert_element_type3A_77 masked %unique3A_75 {add = true} : memref<5248xf32, #tpu.memory_space<vmem>>[vector<16xi32>], vector<16xf32>, vector<16xi1>
      %get3A_78 = arith.index_cast %scan3A_64 : i32 to index
      %get3A_79 = arith.constant 32 : index
      %get3A_80 = tpu.vector_load %arg9[%get3A_78, %get3A_79] {strides = array<i32>} : memref<160x128xi32, #tpu.memory_space<vmem>>, vector<16xi32>,
      %broadcast_in_dim3A_81 = arith.constant true
      %broadcast_in_dim3A_82 = vector.broadcast %broadcast_in_dim3A_81 : i1 to vector<16xi1>
      %unique3A_83, %unique3A_84 = tpu.scan_count mask(%broadcast_in_dim3A_82 : vector<16xi1>) value(%get3A_80 : vector<16xi32>) : vector<16xi1>, vector<16xi32>
      %convert_element_type3A_85 = arith.sitofp %unique3A_84 : vector<16xi32> to vector<16xf32>
      tpu.vector_store_idx %arg12[%get3A_80], %convert_element_type3A_85 masked %unique3A_83 {add = true} : memref<5248xf32, #tpu.memory_space<vmem>>[vector<16xi32>], vector<16xf32>, vector<16xi1>
      %get3A_86 = arith.index_cast %scan3A_64 : i32 to index
      %get3A_87 = arith.constant 48 : index
      %get3A_88 = tpu.vector_load %arg9[%get3A_86, %get3A_87] {strides = array<i32>} : memref<160x128xi32, #tpu.memory_space<vmem>>, vector<16xi32>,
      %broadcast_in_dim3A_89 = arith.constant true
      %broadcast_in_dim3A_90 = vector.broadcast %broadcast_in_dim3A_89 : i1 to vector<16xi1>
      %unique3A_91, %unique3A_92 = tpu.scan_count mask(%broadcast_in_dim3A_90 : vector<16xi1>) value(%get3A_88 : vector<16xi32>) : vector<16xi1>, vector<16xi32>
      %convert_element_type3A_93 = arith.sitofp %unique3A_92 : vector<16xi32> to vector<16xf32>
      tpu.vector_store_idx %arg12[%get3A_88], %convert_element_type3A_93 masked %unique3A_91 {add = true} : memref<5248xf32, #tpu.memory_space<vmem>>[vector<16xi32>], vector<16xf32>, vector<16xi1>
      %get3A_94 = arith.index_cast %scan3A_64 : i32 to index
      %get3A_95 = arith.constant 64 : index
      %get3A_96 = tpu.vector_load %arg9[%get3A_94, %get3A_95] {strides = array<i32>} : memref<160x128xi32, #tpu.memory_space<vmem>>, vector<16xi32>,
      %broadcast_in_dim3A_97 = arith.constant true
      %broadcast_in_dim3A_98 = vector.broadcast %broadcast_in_dim3A_97 : i1 to vector<16xi1>
      %unique3A_99, %unique3A_100 = tpu.scan_count mask(%broadcast_in_dim3A_98 : vector<16xi1>) value(%get3A_96 : vector<16xi32>) : vector<16xi1>, vector<16xi32>
      %convert_element_type3A_101 = arith.sitofp %unique3A_100 : vector<16xi32> to vector<16xf32>
      tpu.vector_store_idx %arg12[%get3A_96], %convert_element_type3A_101 masked %unique3A_99 {add = true} : memref<5248xf32, #tpu.memory_space<vmem>>[vector<16xi32>], vector<16xf32>, vector<16xi1>
      %get3A_102 = arith.index_cast %scan3A_64 : i32 to index
      %get3A_103 = arith.constant 80 : index
      %get3A_104 = tpu.vector_load %arg9[%get3A_102, %get3A_103] {strides = array<i32>} : memref<160x128xi32, #tpu.memory_space<vmem>>, vector<16xi32>,
      %broadcast_in_dim3A_105 = arith.constant true
      %broadcast_in_dim3A_106 = vector.broadcast %broadcast_in_dim3A_105 : i1 to vector<16xi1>
      %unique3A_107, %unique3A_108 = tpu.scan_count mask(%broadcast_in_dim3A_106 : vector<16xi1>) value(%get3A_104 : vector<16xi32>) : vector<16xi1>, vector<16xi32>
      %convert_element_type3A_109 = arith.sitofp %unique3A_108 : vector<16xi32> to vector<16xf32>
      tpu.vector_store_idx %arg12[%get3A_104], %convert_element_type3A_109 masked %unique3A_107 {add = true} : memref<5248xf32, #tpu.memory_space<vmem>>[vector<16xi32>], vector<16xf32>, vector<16xi1>
      %get3A_110 = arith.index_cast %scan3A_64 : i32 to index
      %get3A_111 = arith.constant 96 : index
      %get3A_112 = tpu.vector_load %arg9[%get3A_110, %get3A_111] {strides = array<i32>} : memref<160x128xi32, #tpu.memory_space<vmem>>, vector<16xi32>,
      %broadcast_in_dim3A_113 = arith.constant true
      %broadcast_in_dim3A_114 = vector.broadcast %broadcast_in_dim3A_113 : i1 to vector<16xi1>
      %unique3A_115, %unique3A_116 = tpu.scan_count mask(%broadcast_in_dim3A_114 : vector<16xi1>) value(%get3A_112 : vector<16xi32>) : vector<16xi1>, vector<16xi32>
      %convert_element_type3A_117 = arith.sitofp %unique3A_116 : vector<16xi32> to vector<16xf32>
      tpu.vector_store_idx %arg12[%get3A_112], %convert_element_type3A_117 masked %unique3A_115 {add = true} : memref<5248xf32, #tpu.memory_space<vmem>>[vector<16xi32>], vector<16xf32>, vector<16xi1>
      %get3A_118 = arith.index_cast %scan3A_64 : i32 to index
      %get3A_119 = arith.constant 112 : index
      %get3A_120 = tpu.vector_load %arg9[%get3A_118, %get3A_119] {strides = array<i32>} : memref<160x128xi32, #tpu.memory_space<vmem>>, vector<16xi32>,
      %broadcast_in_dim3A_121 = arith.constant true
      %broadcast_in_dim3A_122 = vector.broadcast %broadcast_in_dim3A_121 : i1 to vector<16xi1>
      %unique3A_123, %unique3A_124 = tpu.scan_count mask(%broadcast_in_dim3A_122 : vector<16xi1>) value(%get3A_120 : vector<16xi32>) : vector<16xi1>, vector<16xi32>
      %convert_element_type3A_125 = arith.sitofp %unique3A_124 : vector<16xi32> to vector<16xf32>
      tpu.vector_store_idx %arg12[%get3A_120], %convert_element_type3A_125 masked %unique3A_123 {add = true} : memref<5248xf32, #tpu.memory_space<vmem>>[vector<16xi32>], vector<16xf32>, vector<16xi1>
    }
    %scan3A_46 = arith.constant 160 : i32
    "tpu.region"() ({
      %run_scoped3A = tpu.sem_alloc : memref<!tpu.dma_semaphore, #tpu.memory_space<semaphore_mem>>
      %dma_start3A = arith.constant 0 : i32
      %dma_start3A_64 = tpu.memref_slice %arg7[%arg0, %arg1, %dma_start3A] : memref<2x16x5248xf32, #tpu.memory_space<hbm>> -> memref<1x1x5248xf32, #tpu.memory_space<hbm>>
      %dma_start3A_65 = tpu.memref_squeeze %dma_start3A_64 : memref<1x1x5248xf32, #tpu.memory_space<hbm>> -> memref<5248xf32, #tpu.memory_space<hbm>>
      %dma_start3A_66 = arith.constant 0 : i32
      %dma_start3A_67 = tpu.memref_slice %arg7[%arg0, %arg1, %dma_start3A_66] : memref<2x16x5248xf32, #tpu.memory_space<hbm>> -> memref<1x1x5248xf32, #tpu.memory_space<hbm>>
      %dma_start3A_68 = tpu.memref_squeeze %dma_start3A_67 : memref<1x1x5248xf32, #tpu.memory_space<hbm>> -> memref<5248xf32, #tpu.memory_space<hbm>>
      tpu.enqueue_dma source(%arg12 : memref<5248xf32, #tpu.memory_space<vmem>>) target(%dma_start3A_68 : memref<5248xf32, #tpu.memory_space<hbm>>) target_semaphore(%run_scoped3A : memref<!tpu.dma_semaphore, #tpu.memory_space<semaphore_mem>>)
      %dma_wait3A = arith.constant 0 : i32
      %dma_wait3A_69 = tpu.memref_slice %arg7[%arg0, %arg1, %dma_wait3A] : memref<2x16x5248xf32, #tpu.memory_space<hbm>> -> memref<1x1x5248xf32, #tpu.memory_space<hbm>>
      %dma_wait3A_70 = tpu.memref_squeeze %dma_wait3A_69 : memref<1x1x5248xf32, #tpu.memory_space<hbm>> -> memref<5248xf32, #tpu.memory_space<hbm>>
      %dma_wait3A_71 = arith.constant 0 : i32
      %dma_wait3A_72 = tpu.memref_slice %arg7[%arg0, %arg1, %dma_wait3A_71] : memref<2x16x5248xf32, #tpu.memory_space<hbm>> -> memref<1x1x5248xf32, #tpu.memory_space<hbm>>
      %dma_wait3A_73 = tpu.memref_squeeze %dma_wait3A_72 : memref<1x1x5248xf32, #tpu.memory_space<hbm>> -> memref<5248xf32, #tpu.memory_space<hbm>>
      tpu.wait_dma2 semaphore(%run_scoped3A : memref<!tpu.dma_semaphore, #tpu.memory_space<semaphore_mem>>) src(%arg12 : memref<5248xf32, #tpu.memory_space<vmem>>) dst(%dma_wait3A_73 : memref<5248xf32, #tpu.memory_space<hbm>>)
      tpu.yield
    }) : () -> ()
    %barrier3A_47 = arith.constant 0 : index
    tpu.barrier barrier_id(%barrier3A_47)
    %mul3A_48 = arith.constant 328 : i32
    %mul3A_49 = arith.muli %arg1, %mul3A_48 : i32
    %add3A_50 = arith.constant 0 : i32
    %add3A_51 = arith.addi %mul3A_49, %add3A_50 : i32
    "tpu.region"() ({
      %run_scoped3A = tpu.sem_alloc : memref<!tpu.dma_semaphore, #tpu.memory_space<semaphore_mem>>
      %dma_start3A = arith.constant 0 : i32
      %dma_start3A_64 = arith.constant 0 : i32
      %dma_start3A_65 = tpu.memref_slice %arg11[%dma_start3A, %dma_start3A_64] : memref<88x128xf32, #tpu.memory_space<vmem>> -> memref<80x128xf32, #tpu.memory_space<vmem>>
      %dma_start3A_66 = arith.constant 0 : i32
      %dma_start3A_67 = tpu.memref_slice %arg13[%add3A_51, %dma_start3A_66] : memref<5248x128xf32, #tpu.memory_space<vmem_shared>> -> memref<80x128xf32, #tpu.memory_space<vmem_shared>>
      %dma_start3A_68 = arith.constant 0 : i32
      %dma_start3A_69 = arith.constant 0 : i32
      %dma_start3A_70 = tpu.memref_slice %arg11[%dma_start3A_68, %dma_start3A_69] : memref<88x128xf32, #tpu.memory_space<vmem>> -> memref<80x128xf32, #tpu.memory_space<vmem>>
      %dma_start3A_71 = arith.constant 0 : i32
      %dma_start3A_72 = tpu.memref_slice %arg13[%add3A_51, %dma_start3A_71] : memref<5248x128xf32, #tpu.memory_space<vmem_shared>> -> memref<80x128xf32, #tpu.memory_space<vmem_shared>>
      tpu.enqueue_dma source(%dma_start3A_72 : memref<80x128xf32, #tpu.memory_space<vmem_shared>>) target(%dma_start3A_70 : memref<80x128xf32, #tpu.memory_space<vmem>>) target_semaphore(%run_scoped3A : memref<!tpu.dma_semaphore, #tpu.memory_space<semaphore_mem>>)
      %dma_wait3A = arith.constant 0 : i32
      %dma_wait3A_73 = arith.constant 0 : i32
      %dma_wait3A_74 = tpu.memref_slice %arg11[%dma_wait3A, %dma_wait3A_73] : memref<88x128xf32, #tpu.memory_space<vmem>> -> memref<80x128xf32, #tpu.memory_space<vmem>>
      %dma_wait3A_75 = arith.constant 0 : i32
      %dma_wait3A_76 = tpu.memref_slice %arg13[%add3A_51, %dma_wait3A_75] : memref<5248x128xf32, #tpu.memory_space<vmem_shared>> -> memref<80x128xf32, #tpu.memory_space<vmem_shared>>
      %dma_wait3A_77 = arith.constant 0 : i32
      %dma_wait3A_78 = arith.constant 0 : i32
      %dma_wait3A_79 = tpu.memref_slice %arg11[%dma_wait3A_77, %dma_wait3A_78] : memref<88x128xf32, #tpu.memory_space<vmem>> -> memref<80x128xf32, #tpu.memory_space<vmem>>
      %dma_wait3A_80 = arith.constant 0 : i32
      %dma_wait3A_81 = tpu.memref_slice %arg13[%add3A_51, %dma_wait3A_80] : memref<5248x128xf32, #tpu.memory_space<vmem_shared>> -> memref<80x128xf32, #tpu.memory_space<vmem_shared>>
      tpu.wait_dma2 semaphore(%run_scoped3A : memref<!tpu.dma_semaphore, #tpu.memory_space<semaphore_mem>>) src(%dma_wait3A_81 : memref<80x128xf32, #tpu.memory_space<vmem_shared>>) dst(%dma_wait3A_79 : memref<80x128xf32, #tpu.memory_space<vmem>>)
      tpu.yield
    }) : () -> ()
    "tpu.region"() ({
      %run_scoped3A = tpu.sem_alloc : memref<!tpu.dma_semaphore, #tpu.memory_space<semaphore_mem>>
      %dma_start3A = arith.constant 0 : i32
      %dma_start3A_64 = arith.constant 0 : i32
      %dma_start3A_65 = tpu.memref_slice %arg11[%dma_start3A, %dma_start3A_64] : memref<88x128xf32, #tpu.memory_space<vmem>> -> memref<80x128xf32, #tpu.memory_space<vmem>>
      %dma_start3A_66 = arith.constant 0 : i32
      %dma_start3A_67 = tpu.memref_slice %arg6[%arg0, %add3A_51, %dma_start3A_66] : memref<2x5248x128xf32, #tpu.memory_space<hbm>> -> memref<1x80x128xf32, #tpu.memory_space<hbm>>
      %dma_start3A_68 = tpu.memref_squeeze %dma_start3A_67 : memref<1x80x128xf32, #tpu.memory_space<hbm>> -> memref<80x128xf32, #tpu.memory_space<hbm>>
      %dma_start3A_69 = arith.constant 0 : i32
      %dma_start3A_70 = tpu.memref_slice %arg6[%arg0, %add3A_51, %dma_start3A_69] : memref<2x5248x128xf32, #tpu.memory_space<hbm>> -> memref<1x80x128xf32, #tpu.memory_space<hbm>>
      %dma_start3A_71 = tpu.memref_squeeze %dma_start3A_70 : memref<1x80x128xf32, #tpu.memory_space<hbm>> -> memref<80x128xf32, #tpu.memory_space<hbm>>
      %dma_start3A_72 = arith.constant 0 : i32
      %dma_start3A_73 = arith.constant 0 : i32
      %dma_start3A_74 = tpu.memref_slice %arg11[%dma_start3A_72, %dma_start3A_73] : memref<88x128xf32, #tpu.memory_space<vmem>> -> memref<80x128xf32, #tpu.memory_space<vmem>>
      tpu.enqueue_dma source(%dma_start3A_74 : memref<80x128xf32, #tpu.memory_space<vmem>>) target(%dma_start3A_71 : memref<80x128xf32, #tpu.memory_space<hbm>>) target_semaphore(%run_scoped3A : memref<!tpu.dma_semaphore, #tpu.memory_space<semaphore_mem>>)
      %dma_wait3A = arith.constant 0 : i32
      %dma_wait3A_75 = arith.constant 0 : i32
      %dma_wait3A_76 = tpu.memref_slice %arg11[%dma_wait3A, %dma_wait3A_75] : memref<88x128xf32, #tpu.memory_space<vmem>> -> memref<80x128xf32, #tpu.memory_space<vmem>>
      %dma_wait3A_77 = arith.constant 0 : i32
      %dma_wait3A_78 = tpu.memref_slice %arg6[%arg0, %add3A_51, %dma_wait3A_77] : memref<2x5248x128xf32, #tpu.memory_space<hbm>> -> memref<1x80x128xf32, #tpu.memory_space<hbm>>
      %dma_wait3A_79 = tpu.memref_squeeze %dma_wait3A_78 : memref<1x80x128xf32, #tpu.memory_space<hbm>> -> memref<80x128xf32, #tpu.memory_space<hbm>>
      %dma_wait3A_80 = arith.constant 0 : i32
      %dma_wait3A_81 = tpu.memref_slice %arg6[%arg0, %add3A_51, %dma_wait3A_80] : memref<2x5248x128xf32, #tpu.memory_space<hbm>> -> memref<1x80x128xf32, #tpu.memory_space<hbm>>
      %dma_wait3A_82 = tpu.memref_squeeze %dma_wait3A_81 : memref<1x80x128xf32, #tpu.memory_space<hbm>> -> memref<80x128xf32, #tpu.memory_space<hbm>>
      %dma_wait3A_83 = arith.constant 0 : i32
      %dma_wait3A_84 = arith.constant 0 : i32
      %dma_wait3A_85 = tpu.memref_slice %arg11[%dma_wait3A_83, %dma_wait3A_84] : memref<88x128xf32, #tpu.memory_space<vmem>> -> memref<80x128xf32, #tpu.memory_space<vmem>>
      tpu.wait_dma2 semaphore(%run_scoped3A : memref<!tpu.dma_semaphore, #tpu.memory_space<semaphore_mem>>) src(%dma_wait3A_85 : memref<80x128xf32, #tpu.memory_space<vmem>>) dst(%dma_wait3A_82 : memref<80x128xf32, #tpu.memory_space<hbm>>)
      tpu.yield
    }) : () -> ()
    %mul3A_52 = arith.constant 328 : i32
    %mul3A_53 = arith.muli %arg1, %mul3A_52 : i32
    %add3A_54 = arith.constant 80 : i32
    %add3A_55 = arith.addi %mul3A_53, %add3A_54 : i32
    "tpu.region"() ({
      %run_scoped3A = tpu.sem_alloc : memref<!tpu.dma_semaphore, #tpu.memory_space<semaphore_mem>>
      %dma_start3A = arith.constant 0 : i32
      %dma_start3A_64 = arith.constant 0 : i32
      %dma_start3A_65 = tpu.memref_slice %arg11[%dma_start3A, %dma_start3A_64] : memref<88x128xf32, #tpu.memory_space<vmem>> -> memref<80x128xf32, #tpu.memory_space<vmem>>
      %dma_start3A_66 = arith.constant 0 : i32
      %dma_start3A_67 = tpu.memref_slice %arg13[%add3A_55, %dma_start3A_66] : memref<5248x128xf32, #tpu.memory_space<vmem_shared>> -> memref<80x128xf32, #tpu.memory_space<vmem_shared>>
      %dma_start3A_68 = arith.constant 0 : i32
      %dma_start3A_69 = arith.constant 0 : i32
      %dma_start3A_70 = tpu.memref_slice %arg11[%dma_start3A_68, %dma_start3A_69] : memref<88x128xf32, #tpu.memory_space<vmem>> -> memref<80x128xf32, #tpu.memory_space<vmem>>
      %dma_start3A_71 = arith.constant 0 : i32
      %dma_start3A_72 = tpu.memref_slice %arg13[%add3A_55, %dma_start3A_71] : memref<5248x128xf32, #tpu.memory_space<vmem_shared>> -> memref<80x128xf32, #tpu.memory_space<vmem_shared>>
      tpu.enqueue_dma source(%dma_start3A_72 : memref<80x128xf32, #tpu.memory_space<vmem_shared>>) target(%dma_start3A_70 : memref<80x128xf32, #tpu.memory_space<vmem>>) target_semaphore(%run_scoped3A : memref<!tpu.dma_semaphore, #tpu.memory_space<semaphore_mem>>)
      %dma_wait3A = arith.constant 0 : i32
      %dma_wait3A_73 = arith.constant 0 : i32
      %dma_wait3A_74 = tpu.memref_slice %arg11[%dma_wait3A, %dma_wait3A_73] : memref<88x128xf32, #tpu.memory_space<vmem>> -> memref<80x128xf32, #tpu.memory_space<vmem>>
      %dma_wait3A_75 = arith.constant 0 : i32
      %dma_wait3A_76 = tpu.memref_slice %arg13[%add3A_55, %dma_wait3A_75] : memref<5248x128xf32, #tpu.memory_space<vmem_shared>> -> memref<80x128xf32, #tpu.memory_space<vmem_shared>>
      %dma_wait3A_77 = arith.constant 0 : i32
      %dma_wait3A_78 = arith.constant 0 : i32
      %dma_wait3A_79 = tpu.memref_slice %arg11[%dma_wait3A_77, %dma_wait3A_78] : memref<88x128xf32, #tpu.memory_space<vmem>> -> memref<80x128xf32, #tpu.memory_space<vmem>>
      %dma_wait3A_80 = arith.constant 0 : i32
      %dma_wait3A_81 = tpu.memref_slice %arg13[%add3A_55, %dma_wait3A_80] : memref<5248x128xf32, #tpu.memory_space<vmem_shared>> -> memref<80x128xf32, #tpu.memory_space<vmem_shared>>
      tpu.wait_dma2 semaphore(%run_scoped3A : memref<!tpu.dma_semaphore, #tpu.memory_space<semaphore_mem>>) src(%dma_wait3A_81 : memref<80x128xf32, #tpu.memory_space<vmem_shared>>) dst(%dma_wait3A_79 : memref<80x128xf32, #tpu.memory_space<vmem>>)
      tpu.yield
    }) : () -> ()
    "tpu.region"() ({
      %run_scoped3A = tpu.sem_alloc : memref<!tpu.dma_semaphore, #tpu.memory_space<semaphore_mem>>
      %dma_start3A = arith.constant 0 : i32
      %dma_start3A_64 = arith.constant 0 : i32
      %dma_start3A_65 = tpu.memref_slice %arg11[%dma_start3A, %dma_start3A_64] : memref<88x128xf32, #tpu.memory_space<vmem>> -> memref<80x128xf32, #tpu.memory_space<vmem>>
      %dma_start3A_66 = arith.constant 0 : i32
      %dma_start3A_67 = tpu.memref_slice %arg6[%arg0, %add3A_55, %dma_start3A_66] : memref<2x5248x128xf32, #tpu.memory_space<hbm>> -> memref<1x80x128xf32, #tpu.memory_space<hbm>>
      %dma_start3A_68 = tpu.memref_squeeze %dma_start3A_67 : memref<1x80x128xf32, #tpu.memory_space<hbm>> -> memref<80x128xf32, #tpu.memory_space<hbm>>
      %dma_start3A_69 = arith.constant 0 : i32
      %dma_start3A_70 = tpu.memref_slice %arg6[%arg0, %add3A_55, %dma_start3A_69] : memref<2x5248x128xf32, #tpu.memory_space<hbm>> -> memref<1x80x128xf32, #tpu.memory_space<hbm>>
      %dma_start3A_71 = tpu.memref_squeeze %dma_start3A_70 : memref<1x80x128xf32, #tpu.memory_space<hbm>> -> memref<80x128xf32, #tpu.memory_space<hbm>>
      %dma_start3A_72 = arith.constant 0 : i32
      %dma_start3A_73 = arith.constant 0 : i32
      %dma_start3A_74 = tpu.memref_slice %arg11[%dma_start3A_72, %dma_start3A_73] : memref<88x128xf32, #tpu.memory_space<vmem>> -> memref<80x128xf32, #tpu.memory_space<vmem>>
      tpu.enqueue_dma source(%dma_start3A_74 : memref<80x128xf32, #tpu.memory_space<vmem>>) target(%dma_start3A_71 : memref<80x128xf32, #tpu.memory_space<hbm>>) target_semaphore(%run_scoped3A : memref<!tpu.dma_semaphore, #tpu.memory_space<semaphore_mem>>)
      %dma_wait3A = arith.constant 0 : i32
      %dma_wait3A_75 = arith.constant 0 : i32
      %dma_wait3A_76 = tpu.memref_slice %arg11[%dma_wait3A, %dma_wait3A_75] : memref<88x128xf32, #tpu.memory_space<vmem>> -> memref<80x128xf32, #tpu.memory_space<vmem>>
      %dma_wait3A_77 = arith.constant 0 : i32
      %dma_wait3A_78 = tpu.memref_slice %arg6[%arg0, %add3A_55, %dma_wait3A_77] : memref<2x5248x128xf32, #tpu.memory_space<hbm>> -> memref<1x80x128xf32, #tpu.memory_space<hbm>>
      %dma_wait3A_79 = tpu.memref_squeeze %dma_wait3A_78 : memref<1x80x128xf32, #tpu.memory_space<hbm>> -> memref<80x128xf32, #tpu.memory_space<hbm>>
      %dma_wait3A_80 = arith.constant 0 : i32
      %dma_wait3A_81 = tpu.memref_slice %arg6[%arg0, %add3A_55, %dma_wait3A_80] : memref<2x5248x128xf32, #tpu.memory_space<hbm>> -> memref<1x80x128xf32, #tpu.memory_space<hbm>>
      %dma_wait3A_82 = tpu.memref_squeeze %dma_wait3A_81 : memref<1x80x128xf32, #tpu.memory_space<hbm>> -> memref<80x128xf32, #tpu.memory_space<hbm>>
      %dma_wait3A_83 = arith.constant 0 : i32
      %dma_wait3A_84 = arith.constant 0 : i32
      %dma_wait3A_85 = tpu.memref_slice %arg11[%dma_wait3A_83, %dma_wait3A_84] : memref<88x128xf32, #tpu.memory_space<vmem>> -> memref<80x128xf32, #tpu.memory_space<vmem>>
      tpu.wait_dma2 semaphore(%run_scoped3A : memref<!tpu.dma_semaphore, #tpu.memory_space<semaphore_mem>>) src(%dma_wait3A_85 : memref<80x128xf32, #tpu.memory_space<vmem>>) dst(%dma_wait3A_82 : memref<80x128xf32, #tpu.memory_space<hbm>>)
      tpu.yield
    }) : () -> ()
    %mul3A_56 = arith.constant 328 : i32
    %mul3A_57 = arith.muli %arg1, %mul3A_56 : i32
    %add3A_58 = arith.constant 160 : i32
    %add3A_59 = arith.addi %mul3A_57, %add3A_58 : i32
    "tpu.region"() ({
      %run_scoped3A = tpu.sem_alloc : memref<!tpu.dma_semaphore, #tpu.memory_space<semaphore_mem>>
      %dma_start3A = arith.constant 0 : i32
      %dma_start3A_64 = arith.constant 0 : i32
      %dma_start3A_65 = tpu.memref_slice %arg11[%dma_start3A, %dma_start3A_64] : memref<88x128xf32, #tpu.memory_space<vmem>> -> memref<80x128xf32, #tpu.memory_space<vmem>>
      %dma_start3A_66 = arith.constant 0 : i32
      %dma_start3A_67 = tpu.memref_slice %arg13[%add3A_59, %dma_start3A_66] : memref<5248x128xf32, #tpu.memory_space<vmem_shared>> -> memref<80x128xf32, #tpu.memory_space<vmem_shared>>
      %dma_start3A_68 = arith.constant 0 : i32
      %dma_start3A_69 = arith.constant 0 : i32
      %dma_start3A_70 = tpu.memref_slice %arg11[%dma_start3A_68, %dma_start3A_69] : memref<88x128xf32, #tpu.memory_space<vmem>> -> memref<80x128xf32, #tpu.memory_space<vmem>>
      %dma_start3A_71 = arith.constant 0 : i32
      %dma_start3A_72 = tpu.memref_slice %arg13[%add3A_59, %dma_start3A_71] : memref<5248x128xf32, #tpu.memory_space<vmem_shared>> -> memref<80x128xf32, #tpu.memory_space<vmem_shared>>
      tpu.enqueue_dma source(%dma_start3A_72 : memref<80x128xf32, #tpu.memory_space<vmem_shared>>) target(%dma_start3A_70 : memref<80x128xf32, #tpu.memory_space<vmem>>) target_semaphore(%run_scoped3A : memref<!tpu.dma_semaphore, #tpu.memory_space<semaphore_mem>>)
      %dma_wait3A = arith.constant 0 : i32
      %dma_wait3A_73 = arith.constant 0 : i32
      %dma_wait3A_74 = tpu.memref_slice %arg11[%dma_wait3A, %dma_wait3A_73] : memref<88x128xf32, #tpu.memory_space<vmem>> -> memref<80x128xf32, #tpu.memory_space<vmem>>
      %dma_wait3A_75 = arith.constant 0 : i32
      %dma_wait3A_76 = tpu.memref_slice %arg13[%add3A_59, %dma_wait3A_75] : memref<5248x128xf32, #tpu.memory_space<vmem_shared>> -> memref<80x128xf32, #tpu.memory_space<vmem_shared>>
      %dma_wait3A_77 = arith.constant 0 : i32
      %dma_wait3A_78 = arith.constant 0 : i32
      %dma_wait3A_79 = tpu.memref_slice %arg11[%dma_wait3A_77, %dma_wait3A_78] : memref<88x128xf32, #tpu.memory_space<vmem>> -> memref<80x128xf32, #tpu.memory_space<vmem>>
      %dma_wait3A_80 = arith.constant 0 : i32
      %dma_wait3A_81 = tpu.memref_slice %arg13[%add3A_59, %dma_wait3A_80] : memref<5248x128xf32, #tpu.memory_space<vmem_shared>> -> memref<80x128xf32, #tpu.memory_space<vmem_shared>>
      tpu.wait_dma2 semaphore(%run_scoped3A : memref<!tpu.dma_semaphore, #tpu.memory_space<semaphore_mem>>) src(%dma_wait3A_81 : memref<80x128xf32, #tpu.memory_space<vmem_shared>>) dst(%dma_wait3A_79 : memref<80x128xf32, #tpu.memory_space<vmem>>)
      tpu.yield
    }) : () -> ()
    "tpu.region"() ({
      %run_scoped3A = tpu.sem_alloc : memref<!tpu.dma_semaphore, #tpu.memory_space<semaphore_mem>>
      %dma_start3A = arith.constant 0 : i32
      %dma_start3A_64 = arith.constant 0 : i32
      %dma_start3A_65 = tpu.memref_slice %arg11[%dma_start3A, %dma_start3A_64] : memref<88x128xf32, #tpu.memory_space<vmem>> -> memref<80x128xf32, #tpu.memory_space<vmem>>
      %dma_start3A_66 = arith.constant 0 : i32
      %dma_start3A_67 = tpu.memref_slice %arg6[%arg0, %add3A_59, %dma_start3A_66] : memref<2x5248x128xf32, #tpu.memory_space<hbm>> -> memref<1x80x128xf32, #tpu.memory_space<hbm>>
      %dma_start3A_68 = tpu.memref_squeeze %dma_start3A_67 : memref<1x80x128xf32, #tpu.memory_space<hbm>> -> memref<80x128xf32, #tpu.memory_space<hbm>>
      %dma_start3A_69 = arith.constant 0 : i32
      %dma_start3A_70 = tpu.memref_slice %arg6[%arg0, %add3A_59, %dma_start3A_69] : memref<2x5248x128xf32, #tpu.memory_space<hbm>> -> memref<1x80x128xf32, #tpu.memory_space<hbm>>
      %dma_start3A_71 = tpu.memref_squeeze %dma_start3A_70 : memref<1x80x128xf32, #tpu.memory_space<hbm>> -> memref<80x128xf32, #tpu.memory_space<hbm>>
      %dma_start3A_72 = arith.constant 0 : i32
      %dma_start3A_73 = arith.constant 0 : i32
      %dma_start3A_74 = tpu.memref_slice %arg11[%dma_start3A_72, %dma_start3A_73] : memref<88x128xf32, #tpu.memory_space<vmem>> -> memref<80x128xf32, #tpu.memory_space<vmem>>
      tpu.enqueue_dma source(%dma_start3A_74 : memref<80x128xf32, #tpu.memory_space<vmem>>) target(%dma_start3A_71 : memref<80x128xf32, #tpu.memory_space<hbm>>) target_semaphore(%run_scoped3A : memref<!tpu.dma_semaphore, #tpu.memory_space<semaphore_mem>>)
      %dma_wait3A = arith.constant 0 : i32
      %dma_wait3A_75 = arith.constant 0 : i32
      %dma_wait3A_76 = tpu.memref_slice %arg11[%dma_wait3A, %dma_wait3A_75] : memref<88x128xf32, #tpu.memory_space<vmem>> -> memref<80x128xf32, #tpu.memory_space<vmem>>
      %dma_wait3A_77 = arith.constant 0 : i32
      %dma_wait3A_78 = tpu.memref_slice %arg6[%arg0, %add3A_59, %dma_wait3A_77] : memref<2x5248x128xf32, #tpu.memory_space<hbm>> -> memref<1x80x128xf32, #tpu.memory_space<hbm>>
      %dma_wait3A_79 = tpu.memref_squeeze %dma_wait3A_78 : memref<1x80x128xf32, #tpu.memory_space<hbm>> -> memref<80x128xf32, #tpu.memory_space<hbm>>
      %dma_wait3A_80 = arith.constant 0 : i32
      %dma_wait3A_81 = tpu.memref_slice %arg6[%arg0, %add3A_59, %dma_wait3A_80] : memref<2x5248x128xf32, #tpu.memory_space<hbm>> -> memref<1x80x128xf32, #tpu.memory_space<hbm>>
      %dma_wait3A_82 = tpu.memref_squeeze %dma_wait3A_81 : memref<1x80x128xf32, #tpu.memory_space<hbm>> -> memref<80x128xf32, #tpu.memory_space<hbm>>
      %dma_wait3A_83 = arith.constant 0 : i32
      %dma_wait3A_84 = arith.constant 0 : i32
      %dma_wait3A_85 = tpu.memref_slice %arg11[%dma_wait3A_83, %dma_wait3A_84] : memref<88x128xf32, #tpu.memory_space<vmem>> -> memref<80x128xf32, #tpu.memory_space<vmem>>
      tpu.wait_dma2 semaphore(%run_scoped3A : memref<!tpu.dma_semaphore, #tpu.memory_space<semaphore_mem>>) src(%dma_wait3A_85 : memref<80x128xf32, #tpu.memory_space<vmem>>) dst(%dma_wait3A_82 : memref<80x128xf32, #tpu.memory_space<hbm>>)
      tpu.yield
    }) : () -> ()
    %mul3A_60 = arith.constant 328 : i32
    %mul3A_61 = arith.muli %arg1, %mul3A_60 : i32
    %add3A_62 = arith.constant 240 : i32
    %add3A_63 = arith.addi %mul3A_61, %add3A_62 : i32
    "tpu.region"() ({
      %run_scoped3A = tpu.sem_alloc : memref<!tpu.dma_semaphore, #tpu.memory_space<semaphore_mem>>
      %dma_start3A = arith.constant 0 : i32
      %dma_start3A_64 = arith.constant 0 : i32
      %dma_start3A_65 = tpu.memref_slice %arg11[%dma_start3A, %dma_start3A_64] : memref<88x128xf32, #tpu.memory_space<vmem>> -> memref<88x128xf32, #tpu.memory_space<vmem>>
      %dma_start3A_66 = arith.constant 0 : i32
      %dma_start3A_67 = tpu.memref_slice %arg13[%add3A_63, %dma_start3A_66] : memref<5248x128xf32, #tpu.memory_space<vmem_shared>> -> memref<88x128xf32, #tpu.memory_space<vmem_shared>>
      %dma_start3A_68 = arith.constant 0 : i32
      %dma_start3A_69 = arith.constant 0 : i32
      %dma_start3A_70 = tpu.memref_slice %arg11[%dma_start3A_68, %dma_start3A_69] : memref<88x128xf32, #tpu.memory_space<vmem>> -> memref<88x128xf32, #tpu.memory_space<vmem>>
      %dma_start3A_71 = arith.constant 0 : i32
      %dma_start3A_72 = tpu.memref_slice %arg13[%add3A_63, %dma_start3A_71] : memref<5248x128xf32, #tpu.memory_space<vmem_shared>> -> memref<88x128xf32, #tpu.memory_space<vmem_shared>>
      tpu.enqueue_dma source(%dma_start3A_72 : memref<88x128xf32, #tpu.memory_space<vmem_shared>>) target(%dma_start3A_70 : memref<88x128xf32, #tpu.memory_space<vmem>>) target_semaphore(%run_scoped3A : memref<!tpu.dma_semaphore, #tpu.memory_space<semaphore_mem>>)
      %dma_wait3A = arith.constant 0 : i32
      %dma_wait3A_73 = arith.constant 0 : i32
      %dma_wait3A_74 = tpu.memref_slice %arg11[%dma_wait3A, %dma_wait3A_73] : memref<88x128xf32, #tpu.memory_space<vmem>> -> memref<88x128xf32, #tpu.memory_space<vmem>>
      %dma_wait3A_75 = arith.constant 0 : i32
      %dma_wait3A_76 = tpu.memref_slice %arg13[%add3A_63, %dma_wait3A_75] : memref<5248x128xf32, #tpu.memory_space<vmem_shared>> -> memref<88x128xf32, #tpu.memory_space<vmem_shared>>
      %dma_wait3A_77 = arith.constant 0 : i32
      %dma_wait3A_78 = arith.constant 0 : i32
      %dma_wait3A_79 = tpu.memref_slice %arg11[%dma_wait3A_77, %dma_wait3A_78] : memref<88x128xf32, #tpu.memory_space<vmem>> -> memref<88x128xf32, #tpu.memory_space<vmem>>
      %dma_wait3A_80 = arith.constant 0 : i32
      %dma_wait3A_81 = tpu.memref_slice %arg13[%add3A_63, %dma_wait3A_80] : memref<5248x128xf32, #tpu.memory_space<vmem_shared>> -> memref<88x128xf32, #tpu.memory_space<vmem_shared>>
      tpu.wait_dma2 semaphore(%run_scoped3A : memref<!tpu.dma_semaphore, #tpu.memory_space<semaphore_mem>>) src(%dma_wait3A_81 : memref<88x128xf32, #tpu.memory_space<vmem_shared>>) dst(%dma_wait3A_79 : memref<88x128xf32, #tpu.memory_space<vmem>>)
      tpu.yield
    }) : () -> ()
    "tpu.region"() ({
      %run_scoped3A = tpu.sem_alloc : memref<!tpu.dma_semaphore, #tpu.memory_space<semaphore_mem>>
      %dma_start3A = arith.constant 0 : i32
      %dma_start3A_64 = arith.constant 0 : i32
      %dma_start3A_65 = tpu.memref_slice %arg11[%dma_start3A, %dma_start3A_64] : memref<88x128xf32, #tpu.memory_space<vmem>> -> memref<88x128xf32, #tpu.memory_space<vmem>>
      %dma_start3A_66 = arith.constant 0 : i32
      %dma_start3A_67 = tpu.memref_slice %arg6[%arg0, %add3A_63, %dma_start3A_66] : memref<2x5248x128xf32, #tpu.memory_space<hbm>> -> memref<1x88x128xf32, #tpu.memory_space<hbm>>
      %dma_start3A_68 = tpu.memref_squeeze %dma_start3A_67 : memref<1x88x128xf32, #tpu.memory_space<hbm>> -> memref<88x128xf32, #tpu.memory_space<hbm>>
      %dma_start3A_69 = arith.constant 0 : i32
      %dma_start3A_70 = tpu.memref_slice %arg6[%arg0, %add3A_63, %dma_start3A_69] : memref<2x5248x128xf32, #tpu.memory_space<hbm>> -> memref<1x88x128xf32, #tpu.memory_space<hbm>>
      %dma_start3A_71 = tpu.memref_squeeze %dma_start3A_70 : memref<1x88x128xf32, #tpu.memory_space<hbm>> -> memref<88x128xf32, #tpu.memory_space<hbm>>
      %dma_start3A_72 = arith.constant 0 : i32
      %dma_start3A_73 = arith.constant 0 : i32
      %dma_start3A_74 = tpu.memref_slice %arg11[%dma_start3A_72, %dma_start3A_73] : memref<88x128xf32, #tpu.memory_space<vmem>> -> memref<88x128xf32, #tpu.memory_space<vmem>>
      tpu.enqueue_dma source(%dma_start3A_74 : memref<88x128xf32, #tpu.memory_space<vmem>>) target(%dma_start3A_71 : memref<88x128xf32, #tpu.memory_space<hbm>>) target_semaphore(%run_scoped3A : memref<!tpu.dma_semaphore, #tpu.memory_space<semaphore_mem>>)
      %dma_wait3A = arith.constant 0 : i32
      %dma_wait3A_75 = arith.constant 0 : i32
      %dma_wait3A_76 = tpu.memref_slice %arg11[%dma_wait3A, %dma_wait3A_75] : memref<88x128xf32, #tpu.memory_space<vmem>> -> memref<88x128xf32, #tpu.memory_space<vmem>>
      %dma_wait3A_77 = arith.constant 0 : i32
      %dma_wait3A_78 = tpu.memref_slice %arg6[%arg0, %add3A_63, %dma_wait3A_77] : memref<2x5248x128xf32, #tpu.memory_space<hbm>> -> memref<1x88x128xf32, #tpu.memory_space<hbm>>
      %dma_wait3A_79 = tpu.memref_squeeze %dma_wait3A_78 : memref<1x88x128xf32, #tpu.memory_space<hbm>> -> memref<88x128xf32, #tpu.memory_space<hbm>>
      %dma_wait3A_80 = arith.constant 0 : i32
      %dma_wait3A_81 = tpu.memref_slice %arg6[%arg0, %add3A_63, %dma_wait3A_80] : memref<2x5248x128xf32, #tpu.memory_space<hbm>> -> memref<1x88x128xf32, #tpu.memory_space<hbm>>
      %dma_wait3A_82 = tpu.memref_squeeze %dma_wait3A_81 : memref<1x88x128xf32, #tpu.memory_space<hbm>> -> memref<88x128xf32, #tpu.memory_space<hbm>>
      %dma_wait3A_83 = arith.constant 0 : i32
      %dma_wait3A_84 = arith.constant 0 : i32
      %dma_wait3A_85 = tpu.memref_slice %arg11[%dma_wait3A_83, %dma_wait3A_84] : memref<88x128xf32, #tpu.memory_space<vmem>> -> memref<88x128xf32, #tpu.memory_space<vmem>>
      tpu.wait_dma2 semaphore(%run_scoped3A : memref<!tpu.dma_semaphore, #tpu.memory_space<semaphore_mem>>) src(%dma_wait3A_85 : memref<88x128xf32, #tpu.memory_space<vmem>>) dst(%dma_wait3A_82 : memref<88x128xf32, #tpu.memory_space<hbm>>)
      tpu.yield
    }) : () -> ()
    return
  }
}

module attributes {stable_mosaic.version = 14 : i64} {
  func.func @_mm_body(%arg0: i32, %arg1: memref<512x128xf32, #tpu.memory_space<vmem>>, %arg2: memref<128x128xf32, #tpu.memory_space<vmem>>, %arg3: memref<1x128xf32, #tpu.memory_space<vmem>>, %arg4: memref<4x128x128xf32, #tpu.memory_space<vmem>>, %arg5: memref<4x1x128xf32, #tpu.memory_space<vmem>>, %arg6: memref<512x128xf32, #tpu.memory_space<vmem>>, %arg7: memref<4x512x128xf32, #tpu.memory_space<vmem>>) attributes {dimension_semantics = [#tpu.dimension_semantics<arbitrary>], iteration_bounds = array<i64: 20>, scalar_prefetch = 0 : i64, scratch_operands = 0 : i64, tpu.core_type = #tpu.core_type<tc>, window_params = [{transform_indices = @transform_0, window_bounds = array<i64: 512, 128>}, {pipeline_mode = #tpu.pipeline_mode<synchronous>, transform_indices = @transform_1, window_bounds = array<i64: 128, 128>}, {pipeline_mode = #tpu.pipeline_mode<synchronous>, transform_indices = @transform_2, window_bounds = array<i64: 1, 128>}, {pipeline_mode = #tpu.pipeline_mode<synchronous>, transform_indices = @transform_3, window_bounds = array<i64: 4, 128, 128>}, {pipeline_mode = #tpu.pipeline_mode<synchronous>, transform_indices = @transform_4, window_bounds = array<i64: 4, 1, 128>}, {transform_indices = @transform_5, window_bounds = array<i64: 512, 128>}, {transform_indices = @transform_6, window_bounds = array<i64: 4, 512, 128>}]} {
    %get3A = arith.constant 0 : index
    %get3A_0 = arith.constant 0 : index
    %get3A_1 = vector.load %arg1[%get3A, %get3A_0] : memref<512x128xf32, #tpu.memory_space<vmem>>, vector<512x128xf32>
    %get3A_2 = arith.constant 0 : index
    %get3A_3 = arith.constant 0 : index
    %get3A_4 = vector.load %arg2[%get3A_2, %get3A_3] : memref<128x128xf32, #tpu.memory_space<vmem>>, vector<128x128xf32>
    %dot_general3A = arith.constant dense<0.000000e+00> : vector<512x128xf32>
    %dot_general3A_5 = tpu.matmul %get3A_1, %get3A_4, %dot_general3A {dimension_numbers = #tpu.dot_dimension_numbers<[1], [0], [0], [1], [0, 0, 1, 1], [], []>, transpose_lhs_hint = false} : vector<512x128xf32>, vector<128x128xf32>, vector<512x128xf32> -> vector<512x128xf32>
    %get3A_6 = arith.constant 0 : index
    %get3A_7 = arith.constant 0 : index
    %get3A_8 = vector.load %arg3[%get3A_6, %get3A_7] : memref<1x128xf32, #tpu.memory_space<vmem>>, vector<1x128xf32>
    %add3A = vector.broadcast %get3A_8 : vector<1x128xf32> to vector<512x128xf32>
    %add3A_9 = arith.addf %dot_general3A_5, %add3A : vector<512x128xf32>
    %swap3A = arith.constant 0 : index
    %swap3A_10 = arith.constant 0 : index
    %swap3A_11 = vector.load %arg6[%swap3A, %swap3A_10] : memref<512x128xf32, #tpu.memory_space<vmem>>, vector<512x128xf32>
    tpu.vector_store %arg6[%swap3A, %swap3A_10], %add3A_9 {strides = array<i32>} : memref<512x128xf32, #tpu.memory_space<vmem>>, vector<512x128xf32>,
    %get3A_12 = arith.constant 0 : index
    %get3A_13 = arith.constant 0 : index
    %get3A_14 = arith.constant 0 : index
    %get3A_15 = vector.load %arg4[%get3A_12, %get3A_13, %get3A_14] : memref<4x128x128xf32, #tpu.memory_space<vmem>>, vector<1x128x128xf32>
    %get3A_16 = vector.shape_cast %get3A_15 : vector<1x128x128xf32> to vector<128x128xf32>
    %dot_general3A_17 = arith.constant dense<0.000000e+00> : vector<512x128xf32>
    %dot_general3A_18 = tpu.matmul %get3A_1, %get3A_16, %dot_general3A_17 {dimension_numbers = #tpu.dot_dimension_numbers<[1], [0], [0], [1], [0, 0, 1, 1], [], []>, transpose_lhs_hint = false} : vector<512x128xf32>, vector<128x128xf32>, vector<512x128xf32> -> vector<512x128xf32>
    %get3A_19 = arith.constant 0 : index
    %get3A_20 = arith.constant 0 : index
    %get3A_21 = arith.constant 0 : index
    %get3A_22 = vector.load %arg5[%get3A_19, %get3A_20, %get3A_21] : memref<4x1x128xf32, #tpu.memory_space<vmem>>, vector<1x1x128xf32>
    %get3A_23 = vector.shape_cast %get3A_22 : vector<1x1x128xf32> to vector<1x128xf32>
    %add3A_24 = vector.broadcast %get3A_23 : vector<1x128xf32> to vector<512x128xf32>
    %add3A_25 = arith.addf %dot_general3A_18, %add3A_24 : vector<512x128xf32>
    %swap3A_26 = arith.constant 0 : index
    %swap3A_27 = arith.constant 0 : index
    %swap3A_28 = arith.constant 0 : index
    %swap3A_29 = vector.load %arg7[%swap3A_26, %swap3A_27, %swap3A_28] : memref<4x512x128xf32, #tpu.memory_space<vmem>>, vector<1x512x128xf32>
    %swap3A_30 = vector.shape_cast %swap3A_29 : vector<1x512x128xf32> to vector<512x128xf32>
    %swap3A_31 = vector.shape_cast %add3A_25 : vector<512x128xf32> to vector<1x512x128xf32>
    tpu.vector_store %arg7[%swap3A_26, %swap3A_27, %swap3A_28], %swap3A_31 {strides = array<i32>} : memref<4x512x128xf32, #tpu.memory_space<vmem>>, vector<1x512x128xf32>,
    %get3A_32 = arith.constant 1 : index
    %get3A_33 = arith.constant 0 : index
    %get3A_34 = arith.constant 0 : index
    %get3A_35 = vector.load %arg4[%get3A_32, %get3A_33, %get3A_34] : memref<4x128x128xf32, #tpu.memory_space<vmem>>, vector<1x128x128xf32>
    %get3A_36 = vector.shape_cast %get3A_35 : vector<1x128x128xf32> to vector<128x128xf32>
    %dot_general3A_37 = arith.constant dense<0.000000e+00> : vector<512x128xf32>
    %dot_general3A_38 = tpu.matmul %get3A_1, %get3A_36, %dot_general3A_37 {dimension_numbers = #tpu.dot_dimension_numbers<[1], [0], [0], [1], [0, 0, 1, 1], [], []>, transpose_lhs_hint = false} : vector<512x128xf32>, vector<128x128xf32>, vector<512x128xf32> -> vector<512x128xf32>
    %get3A_39 = arith.constant 1 : index
    %get3A_40 = arith.constant 0 : index
    %get3A_41 = arith.constant 0 : index
    %get3A_42 = vector.load %arg5[%get3A_39, %get3A_40, %get3A_41] : memref<4x1x128xf32, #tpu.memory_space<vmem>>, vector<1x1x128xf32>
    %get3A_43 = vector.shape_cast %get3A_42 : vector<1x1x128xf32> to vector<1x128xf32>
    %add3A_44 = vector.broadcast %get3A_43 : vector<1x128xf32> to vector<512x128xf32>
    %add3A_45 = arith.addf %dot_general3A_38, %add3A_44 : vector<512x128xf32>
    %swap3A_46 = arith.constant 1 : index
    %swap3A_47 = arith.constant 0 : index
    %swap3A_48 = arith.constant 0 : index
    %swap3A_49 = vector.load %arg7[%swap3A_46, %swap3A_47, %swap3A_48] : memref<4x512x128xf32, #tpu.memory_space<vmem>>, vector<1x512x128xf32>
    %swap3A_50 = vector.shape_cast %swap3A_49 : vector<1x512x128xf32> to vector<512x128xf32>
    %swap3A_51 = vector.shape_cast %add3A_45 : vector<512x128xf32> to vector<1x512x128xf32>
    tpu.vector_store %arg7[%swap3A_46, %swap3A_47, %swap3A_48], %swap3A_51 {strides = array<i32>} : memref<4x512x128xf32, #tpu.memory_space<vmem>>, vector<1x512x128xf32>,
    %get3A_52 = arith.constant 2 : index
    %get3A_53 = arith.constant 0 : index
    %get3A_54 = arith.constant 0 : index
    %get3A_55 = vector.load %arg4[%get3A_52, %get3A_53, %get3A_54] : memref<4x128x128xf32, #tpu.memory_space<vmem>>, vector<1x128x128xf32>
    %get3A_56 = vector.shape_cast %get3A_55 : vector<1x128x128xf32> to vector<128x128xf32>
    %dot_general3A_57 = arith.constant dense<0.000000e+00> : vector<512x128xf32>
    %dot_general3A_58 = tpu.matmul %get3A_1, %get3A_56, %dot_general3A_57 {dimension_numbers = #tpu.dot_dimension_numbers<[1], [0], [0], [1], [0, 0, 1, 1], [], []>, transpose_lhs_hint = false} : vector<512x128xf32>, vector<128x128xf32>, vector<512x128xf32> -> vector<512x128xf32>
    %get3A_59 = arith.constant 2 : index
    %get3A_60 = arith.constant 0 : index
    %get3A_61 = arith.constant 0 : index
    %get3A_62 = vector.load %arg5[%get3A_59, %get3A_60, %get3A_61] : memref<4x1x128xf32, #tpu.memory_space<vmem>>, vector<1x1x128xf32>
    %get3A_63 = vector.shape_cast %get3A_62 : vector<1x1x128xf32> to vector<1x128xf32>
    %add3A_64 = vector.broadcast %get3A_63 : vector<1x128xf32> to vector<512x128xf32>
    %add3A_65 = arith.addf %dot_general3A_58, %add3A_64 : vector<512x128xf32>
    %swap3A_66 = arith.constant 2 : index
    %swap3A_67 = arith.constant 0 : index
    %swap3A_68 = arith.constant 0 : index
    %swap3A_69 = vector.load %arg7[%swap3A_66, %swap3A_67, %swap3A_68] : memref<4x512x128xf32, #tpu.memory_space<vmem>>, vector<1x512x128xf32>
    %swap3A_70 = vector.shape_cast %swap3A_69 : vector<1x512x128xf32> to vector<512x128xf32>
    %swap3A_71 = vector.shape_cast %add3A_65 : vector<512x128xf32> to vector<1x512x128xf32>
    tpu.vector_store %arg7[%swap3A_66, %swap3A_67, %swap3A_68], %swap3A_71 {strides = array<i32>} : memref<4x512x128xf32, #tpu.memory_space<vmem>>, vector<1x512x128xf32>,
    %get3A_72 = arith.constant 3 : index
    %get3A_73 = arith.constant 0 : index
    %get3A_74 = arith.constant 0 : index
    %get3A_75 = vector.load %arg4[%get3A_72, %get3A_73, %get3A_74] : memref<4x128x128xf32, #tpu.memory_space<vmem>>, vector<1x128x128xf32>
    %get3A_76 = vector.shape_cast %get3A_75 : vector<1x128x128xf32> to vector<128x128xf32>
    %dot_general3A_77 = arith.constant dense<0.000000e+00> : vector<512x128xf32>
    %dot_general3A_78 = tpu.matmul %get3A_1, %get3A_76, %dot_general3A_77 {dimension_numbers = #tpu.dot_dimension_numbers<[1], [0], [0], [1], [0, 0, 1, 1], [], []>, transpose_lhs_hint = false} : vector<512x128xf32>, vector<128x128xf32>, vector<512x128xf32> -> vector<512x128xf32>
    %get3A_79 = arith.constant 3 : index
    %get3A_80 = arith.constant 0 : index
    %get3A_81 = arith.constant 0 : index
    %get3A_82 = vector.load %arg5[%get3A_79, %get3A_80, %get3A_81] : memref<4x1x128xf32, #tpu.memory_space<vmem>>, vector<1x1x128xf32>
    %get3A_83 = vector.shape_cast %get3A_82 : vector<1x1x128xf32> to vector<1x128xf32>
    %add3A_84 = vector.broadcast %get3A_83 : vector<1x128xf32> to vector<512x128xf32>
    %add3A_85 = arith.addf %dot_general3A_78, %add3A_84 : vector<512x128xf32>
    %swap3A_86 = arith.constant 3 : index
    %swap3A_87 = arith.constant 0 : index
    %swap3A_88 = arith.constant 0 : index
    %swap3A_89 = vector.load %arg7[%swap3A_86, %swap3A_87, %swap3A_88] : memref<4x512x128xf32, #tpu.memory_space<vmem>>, vector<1x512x128xf32>
    %swap3A_90 = vector.shape_cast %swap3A_89 : vector<1x512x128xf32> to vector<512x128xf32>
    %swap3A_91 = vector.shape_cast %add3A_85 : vector<512x128xf32> to vector<1x512x128xf32>
    tpu.vector_store %arg7[%swap3A_86, %swap3A_87, %swap3A_88], %swap3A_91 {strides = array<i32>} : memref<4x512x128xf32, #tpu.memory_space<vmem>>, vector<1x512x128xf32>,
    return
  }
  func.func @transform_0(%arg0: i32) -> (i32, i32) {
    %c0_i32 = arith.constant 0 : i32
    %c0_i32_0 = arith.constant 0 : i32
    return %arg0, %c0_i32 : i32, i32
  }
  func.func @transform_1(%arg0: i32) -> (i32, i32) {
    %c0_i32 = arith.constant 0 : i32
    %c0_i32_0 = arith.constant 0 : i32
    %c0_i32_1 = arith.constant 0 : i32
    return %c0_i32, %c0_i32_0 : i32, i32
  }
  func.func @transform_2(%arg0: i32) -> (i32, i32) {
    %c0_i32 = arith.constant 0 : i32
    %c0_i32_0 = arith.constant 0 : i32
    %c0_i32_1 = arith.constant 0 : i32
    return %c0_i32, %c0_i32_0 : i32, i32
  }
  func.func @transform_3(%arg0: i32) -> (i32, i32, i32) {
    %c0_i32 = arith.constant 0 : i32
    %c0_i32_0 = arith.constant 0 : i32
    %c0_i32_1 = arith.constant 0 : i32
    %c0_i32_2 = arith.constant 0 : i32
    return %c0_i32, %c0_i32_0, %c0_i32_1 : i32, i32, i32
  }
  func.func @transform_4(%arg0: i32) -> (i32, i32, i32) {
    %c0_i32 = arith.constant 0 : i32
    %c0_i32_0 = arith.constant 0 : i32
    %c0_i32_1 = arith.constant 0 : i32
    %c0_i32_2 = arith.constant 0 : i32
    return %c0_i32, %c0_i32_0, %c0_i32_1 : i32, i32, i32
  }
  func.func @transform_5(%arg0: i32) -> (i32, i32) {
    %c0_i32 = arith.constant 0 : i32
    %c0_i32_0 = arith.constant 0 : i32
    return %arg0, %c0_i32 : i32, i32
  }
  func.func @transform_6(%arg0: i32) -> (i32, i32, i32) {
    %c0_i32 = arith.constant 0 : i32
    %c0_i32_0 = arith.constant 0 : i32
    %c0_i32_1 = arith.constant 0 : i32
    return %c0_i32, %arg0, %c0_i32_0 : i32, i32, i32
  }
}

module attributes {stable_mosaic.version = 14 : i64} {
  func.func @_ep_body(%arg0: i32, %arg1: memref<512x128xf32, #tpu.memory_space<vmem>>, %arg2: memref<1x512x128xf32, #tpu.memory_space<vmem>>, %arg3: memref<1x16x512x1xf32, #tpu.memory_space<vmem>>, %arg4: memref<512x256xf32, #tpu.memory_space<vmem>>) attributes {dimension_semantics = [#tpu.dimension_semantics<arbitrary>], iteration_bounds = array<i64: 20>, scalar_prefetch = 0 : i64, scratch_operands = 0 : i64, tpu.core_type = #tpu.core_type<tc>, window_params = [{transform_indices = @transform_0, window_bounds = array<i64: 512, 128>}, {transform_indices = @transform_1, window_bounds = array<i64: 1, 512, 128>}, {transform_indices = @transform_2, window_bounds = array<i64: 1, 16, 512, 1>}, {transform_indices = @transform_3, window_bounds = array<i64: 512, 256>}]} {
    %get3A = arith.constant 0 : index
    %get3A_0 = arith.constant 0 : index
    %get3A_1 = arith.constant 0 : index
    %get3A_2 = vector.load %arg2[%get3A, %get3A_0, %get3A_1] : memref<1x512x128xf32, #tpu.memory_space<vmem>>, vector<1x512x128xf32>
    %get3A_3 = vector.shape_cast %get3A_2 : vector<1x512x128xf32> to vector<512x128xf32>
    %get3A_4 = arith.constant 0 : index
    %get3A_5 = arith.constant 0 : index
    %get3A_6 = arith.constant 0 : index
    %get3A_7 = arith.constant 0 : index
    %get3A_8 = vector.load %arg3[%get3A_4, %get3A_5, %get3A_6, %get3A_7] : memref<1x16x512x1xf32, #tpu.memory_space<vmem>>, vector<1x16x512x1xf32>
    %get3A_9 = vector.shape_cast %get3A_8 : vector<1x16x512x1xf32> to vector<16x512x1xf32>
    %reduce_sum3A = arith.constant dense<0.000000e+00> : vector<512x1xf32>
    %reduce_sum3A_10 = vector.multi_reduction <add>, %get3A_9, %reduce_sum3A [0] : vector<16x512x1xf32> to vector<512x1xf32>
    %max3A = arith.constant 1.000000e+00 : f32
    %max3A_11 = vector.broadcast %max3A : f32 to vector<512x1xf32>
    %max3A_12 = arith.maximumf %reduce_sum3A_10, %max3A_11 : vector<512x1xf32>
    %div3A = vector.broadcast %max3A_12 : vector<512x1xf32> to vector<512x128xf32>
    %div3A_13 = arith.divf %get3A_3, %div3A : vector<512x128xf32>
    %get3A_14 = arith.constant 0 : index
    %get3A_15 = arith.constant 0 : index
    %get3A_16 = vector.load %arg1[%get3A_14, %get3A_15] : memref<512x128xf32, #tpu.memory_space<vmem>>, vector<512x128xf32>
    %concatenate3A = tpu.concatenate %get3A_16, %div3A_13 in 1 : vector<512x128xf32>, vector<512x128xf32> -> vector<512x256xf32>
    %max3A_17 = arith.constant 0.000000e+00 : f32
    %max3A_18 = vector.broadcast %max3A_17 : f32 to vector<512x256xf32>
    %max3A_19 = arith.maximumf %concatenate3A, %max3A_18 : vector<512x256xf32>
    %swap3A = arith.constant 0 : index
    %swap3A_20 = arith.constant 0 : index
    %swap3A_21 = vector.load %arg4[%swap3A, %swap3A_20] : memref<512x256xf32, #tpu.memory_space<vmem>>, vector<512x256xf32>
    tpu.vector_store %arg4[%swap3A, %swap3A_20], %max3A_19 {strides = array<i32>} : memref<512x256xf32, #tpu.memory_space<vmem>>, vector<512x256xf32>,
    return
  }
  func.func @transform_0(%arg0: i32) -> (i32, i32) {
    %c0_i32 = arith.constant 0 : i32
    %c0_i32_0 = arith.constant 0 : i32
    return %arg0, %c0_i32 : i32, i32
  }
  func.func @transform_1(%arg0: i32) -> (i32, i32, i32) {
    %jit3A = arith.constant 10 : i32
    %div3A = arith.divsi %arg0, %jit3A : i32
    %sign3A = arith.constant 0 : i32
    %sign3A_0 = arith.cmpi sgt, %arg0, %sign3A : i32
    %sign3A_1 = arith.extui %sign3A_0 : i1 to i32
    %sign3A_2 = arith.constant 0 : i32
    %sign3A_3 = arith.cmpi slt, %arg0, %sign3A_2 : i32
    %sign3A_4 = arith.extui %sign3A_3 : i1 to i32
    %sign3A_5 = arith.subi %sign3A_1, %sign3A_4 : i32
    %sign3A_6 = arith.constant 0 : i32
    %sign3A_7 = arith.cmpi sgt, %jit3A, %sign3A_6 : i32
    %sign3A_8 = arith.extui %sign3A_7 : i1 to i32
    %sign3A_9 = arith.constant 0 : i32
    %sign3A_10 = arith.cmpi slt, %jit3A, %sign3A_9 : i32
    %sign3A_11 = arith.extui %sign3A_10 : i1 to i32
    %sign3A_12 = arith.subi %sign3A_8, %sign3A_11 : i32
    %ne3A = arith.cmpi ne, %sign3A_5, %sign3A_12 : i32
    %rem3A = arith.remsi %arg0, %jit3A : i32
    %ne3A_13 = arith.constant 0 : i32
    %ne3A_14 = arith.cmpi ne, %rem3A, %ne3A_13 : i32
    %and3A = arith.andi %ne3A, %ne3A_14 : i1
    %sub3A = arith.constant 1 : i32
    %sub3A_15 = arith.subi %div3A, %sub3A : i32
    %select_n3A = arith.select %and3A, %sub3A_15, %div3A : i32
    %jit3A_16 = arith.constant 10 : i32
    %eq3A = arith.constant 0 : i32
    %eq3A_17 = arith.cmpi eq, %jit3A_16, %eq3A : i32
    %jit3A_18 = arith.constant 1 : i32
    %select_n3A_19 = arith.select %eq3A_17, %jit3A_18, %jit3A_16 : i32
    %rem3A_20 = arith.remsi %arg0, %select_n3A_19 : i32
    %ne3A_21 = arith.constant 0 : i32
    %ne3A_22 = arith.cmpi ne, %rem3A_20, %ne3A_21 : i32
    %lt3A = arith.constant 0 : i32
    %lt3A_23 = arith.cmpi slt, %rem3A_20, %lt3A : i32
    %lt3A_24 = arith.constant 0 : i32
    %lt3A_25 = arith.cmpi slt, %select_n3A_19, %lt3A_24 : i32
    %ne3A_26 = arith.xori %lt3A_23, %lt3A_25 : i1
    %and3A_27 = arith.andi %ne3A_26, %ne3A_22 : i1
    %add3A = arith.addi %rem3A_20, %select_n3A_19 : i32
    %select_n3A_28 = arith.select %and3A_27, %add3A, %rem3A_20 : i32
    %c0_i32 = arith.constant 0 : i32
    %c0_i32_29 = arith.constant 0 : i32
    return %select_n3A, %select_n3A_28, %c0_i32 : i32, i32, i32
  }
  func.func @transform_2(%arg0: i32) -> (i32, i32, i32, i32) {
    %jit3A = arith.constant 10 : i32
    %div3A = arith.divsi %arg0, %jit3A : i32
    %sign3A = arith.constant 0 : i32
    %sign3A_0 = arith.cmpi sgt, %arg0, %sign3A : i32
    %sign3A_1 = arith.extui %sign3A_0 : i1 to i32
    %sign3A_2 = arith.constant 0 : i32
    %sign3A_3 = arith.cmpi slt, %arg0, %sign3A_2 : i32
    %sign3A_4 = arith.extui %sign3A_3 : i1 to i32
    %sign3A_5 = arith.subi %sign3A_1, %sign3A_4 : i32
    %sign3A_6 = arith.constant 0 : i32
    %sign3A_7 = arith.cmpi sgt, %jit3A, %sign3A_6 : i32
    %sign3A_8 = arith.extui %sign3A_7 : i1 to i32
    %sign3A_9 = arith.constant 0 : i32
    %sign3A_10 = arith.cmpi slt, %jit3A, %sign3A_9 : i32
    %sign3A_11 = arith.extui %sign3A_10 : i1 to i32
    %sign3A_12 = arith.subi %sign3A_8, %sign3A_11 : i32
    %ne3A = arith.cmpi ne, %sign3A_5, %sign3A_12 : i32
    %rem3A = arith.remsi %arg0, %jit3A : i32
    %ne3A_13 = arith.constant 0 : i32
    %ne3A_14 = arith.cmpi ne, %rem3A, %ne3A_13 : i32
    %and3A = arith.andi %ne3A, %ne3A_14 : i1
    %sub3A = arith.constant 1 : i32
    %sub3A_15 = arith.subi %div3A, %sub3A : i32
    %select_n3A = arith.select %and3A, %sub3A_15, %div3A : i32
    %jit3A_16 = arith.constant 10 : i32
    %eq3A = arith.constant 0 : i32
    %eq3A_17 = arith.cmpi eq, %jit3A_16, %eq3A : i32
    %jit3A_18 = arith.constant 1 : i32
    %select_n3A_19 = arith.select %eq3A_17, %jit3A_18, %jit3A_16 : i32
    %rem3A_20 = arith.remsi %arg0, %select_n3A_19 : i32
    %ne3A_21 = arith.constant 0 : i32
    %ne3A_22 = arith.cmpi ne, %rem3A_20, %ne3A_21 : i32
    %lt3A = arith.constant 0 : i32
    %lt3A_23 = arith.cmpi slt, %rem3A_20, %lt3A : i32
    %lt3A_24 = arith.constant 0 : i32
    %lt3A_25 = arith.cmpi slt, %select_n3A_19, %lt3A_24 : i32
    %ne3A_26 = arith.xori %lt3A_23, %lt3A_25 : i1
    %and3A_27 = arith.andi %ne3A_26, %ne3A_22 : i1
    %add3A = arith.addi %rem3A_20, %select_n3A_19 : i32
    %select_n3A_28 = arith.select %and3A_27, %add3A, %rem3A_20 : i32
    %c0_i32 = arith.constant 0 : i32
    %c0_i32_29 = arith.constant 0 : i32
    %c0_i32_30 = arith.constant 0 : i32
    return %select_n3A, %c0_i32, %select_n3A_28, %c0_i32_29 : i32, i32, i32, i32
  }
  func.func @transform_3(%arg0: i32) -> (i32, i32) {
    %c0_i32 = arith.constant 0 : i32
    %c0_i32_0 = arith.constant 0 : i32
    return %arg0, %c0_i32 : i32, i32
  }
}

</mosaic_0001>

<sc_bundles>
// kernel: kernel.5.cloned.1.call-start
scs
__scs_entry_jumppad:
0x0: {  	(pc) =	sbr.rel $0x88, $3  }
0x1: {  	(tag) =	ssettag $0x0;
	lr =	simm.s32 $0x1  }
0x2: {  	[smem:$0x3F9A] =	sst lr;
	_ =	strace $0xD0000000  }
0x3: {  	_ = 	snop  }
0x4: {  	_ = 	snop  }
0x5: {  	_ = 	snop  }
0x6: {  	_ = 	snop  }
0x7: {  	_ = 	snop  }
__scs_overlays_trampoline_lowered:
0x8: {  	[smem:$0x3FA9] =	sst s0  }
0x9: {  	[smem:$0x3FAA] =	sst s1  }
0xa: {  	[smem:$0x3FAB] =	sst s2  }
0xb: {  	[smem:$0x3FAC] =	sst s3  }
0xc: {  	[smem:$0x3FAD] =	sst s4  }
0xd: {  	[smem:$0x3FAE] =	sst s5  }
0xe: {  	[smem:$0x3FAF] =	sst s6  }
0xf: {  	[smem:$0x3FB0] =	sst s7  }
0x10: {  	[smem:$0x3FB1] =	sst s8  }
0x11: {  	[smem:$0x3FB2] =	sst s9;
	s0 =	simm.s32 @!p0 $0x0  }
0x12: {  	s1 =	sld [smem:$0x3F98];
	s0 =	simm.s32 @p0 $0x1  }
0x13: {  	[smem:$0x3FB3] =	sst s0;
	s0 =	simm.s32 @!p1 $0x0  }
0x14: {  	s2 =	sld [smem:$0x3F97];
	s0 =	simm.s32 @p1 $0x1  }
0x15: {  	[smem:$0x3FB4] =	sst s0;
	s0 =	simm.s32 @!p2 $0x0  }
0x16: {  	s3 =	sld [smem:$0x3FDB];
	s0 =	simm.s32 @p2 $0x1  }
0x17: {  	s4 =	simm.s32 $0x1BF5;
	[smem:$0x3FB6] =	sst s0  }
0x18: {  	s0 =	sld [smem:$0x3F99];
	_ =	swait.ge [sflag:s4], $0x0  }
0x19: {  	s7 =	sld [smem:$0x3F9A]  }
0x1a: {  	s8 =	sadd.s32 $0xFFFFE003, lr  }
0x1b: {  	s9 =	sadd.s32 $0xFFFFFEF7, lr;
	s5 =	simm.s32 $0xFFFFFFFF;
	p2 =	slt.u32 s8, $0xFFFFF086  }
0x1c: {  	p1 =	slt.u32 s9, $0xF7A;
	s5 =	simm.s32 @!p2 $0x0  }
0x1d: {  	s5 =	simm.s32 @p1 $0x1;
	p0 =	seq.s32 s7, s2  }
0x1e: {  	s7 =	smul.u32 @!p0 $0xF7A, s2;
	p2 =	seq.s32 @!p0 s5, $0x0  }
0x1f: {  	s9 =	smul.u32 $0xF7A, s1;
	s8 =	simm.s32 @!p0 $0x1BF5;
	p2 =	por !p2, p0  }
0x20: {  	[sflag:s8] =	ssyncset.s32 @!p0 $0xFFFFF086;
	s6 =	sadd.s32 @!p0 s3, s7;
	s7 =	simm.s32 @!p0 $0x108  }
0x21: {  	s3 =	sadd.s32 s3, s9;
	s6 =	sadd.s32 @!p0 $0x88, s6;
	s7 =	simm.s32 @p2 $0x1082  }
0x22: {  	[simem:s7], [sflag:s8] =	dma.local @!p0 [hbm:s6], $0xF7A  }
0x23: {  	s9 =	sor.u32 $0xD0000000, s2;
	s6 =	simm.s32 $0x108;
	_ =	swait.ge @!p0 [sflag:s8], $0x0  }
0x24: {  	s3 =	sadd.s32 $0x88, s3;
	s6 =	simm.s32 @!p1 $0x1082;
	[sflag:s4] =	ssyncset.s32 $0xFFFFF086  }
0x25: {  	[simem:s6], [sflag:s4] =	dma.local [hbm:s3], $0xF7A  }
0x26: {  	[smem:$0x3F9A] =	sst s1;
	(tag) =	ssettag s2;
	_ =	strace s9  }
0x27: {  	s1 =	sld [smem:$0x3FAA]  }
0x28: {  	s2 =	sld [smem:$0x3FAB]  }
0x29: {  	s4 =	sld [smem:$0x3FAD]  }
0x2a: {  	p0 =	seq.s32 s5, $0x0;
	s5 =	sld [smem:$0x3FAE]  }
0x2b: {  	s6 =	sld [smem:$0x3FAF]  }
0x2c: {  	s7 =	sld [smem:$0x3FB0]  }
0x2d: {  	s3 =	simm.s32 $0x108;
	s8 =	sld [smem:$0x3FB1]  }
0x2e: {  	s3 =	simm.s32 @!p0 $0x1082;
	s9 =	sld [smem:$0x3FB2]  }
0x2f: {  	lr =	sadd.s32 s0, s3;
	s0 =	sld [smem:$0x3FA9]  }
0x30: {  	s3 =	sld [smem:$0x3FAC]  }
0x31: {  	[smem:$0x3FB5] =	sst s10  }
0x32: {  	s10 =	sld [smem:$0x3FB3];
	_ =	sdelay $0x3  }
0x33: {  	p0 =	seq.s32 s10, $0x1;
	s10 =	sld [smem:$0x3FB5];
	_ =	sdelay $0x3  }
0x34: {  	[smem:$0x3FB5] =	sst s10  }
0x35: {  	s10 =	sld [smem:$0x3FB4];
	_ =	sdelay $0x3  }
0x36: {  	p1 =	seq.s32 s10, $0x1;
	s10 =	sld [smem:$0x3FB5];
	_ =	sdelay $0x3  }
0x37: {  	[smem:$0x3FB5] =	sst s10  }
0x38: {  	s10 =	sld [smem:$0x3FB6]  }
0x39: {  	_ = 	snop;
	(pc) =	sbr.ind lr, $3  }
0x3a: {  	_ = 	snop  }
0x3b: {  	_ = 	snop  }
0x3c: {  	p2 =	seq.s32 s10, $0x1;
	s10 =	sld [smem:$0x3FB5]  }
0x3d: {  	_ =	shalt  }
0x3e: {  	_ =	shalt  }
0x3f: {  	_ =	shalt  }
0x40: {  	_ =	shalt  }
0x41: {  	_ =	shalt  }
0x42: {  	_ =	shalt  }
0x43: {  	_ =	shalt  }
0x44: {  	_ =	shalt  }
0x45: {  	_ =	shalt  }
0x46: {  	_ =	shalt  }
0x47: {  	_ =	shalt  }
0x48: {  	_ =	shalt  }
0x49: {  	_ =	shalt  }
0x4a: {  	_ =	shalt  }
0x4b: {  	_ =	shalt  }
0x4c: {  	_ =	shalt  }
0x4d: {  	_ =	shalt  }
0x4e: {  	_ =	shalt  }
0x4f: {  	_ =	shalt  }
0x50: {  	_ =	shalt  }
0x51: {  	_ =	shalt  }
0x52: {  	_ =	shalt  }
0x53: {  	_ =	shalt  }
0x54: {  	_ =	shalt  }
0x55: {  	_ =	shalt  }
0x56: {  	_ =	shalt  }
0x57: {  	_ =	shalt  }
0x58: {  	_ =	shalt  }
0x59: {  	_ =	shalt  }
0x5a: {  	_ =	shalt  }
0x5b: {  	_ =	shalt  }
0x5c: {  	_ =	shalt  }
0x5d: {  	_ =	shalt  }
0x5e: {  	_ =	shalt  }
0x5f: {  	_ =	shalt  }
0x60: {  	_ =	shalt  }
0x61: {  	_ =	shalt  }
0x62: {  	_ =	shalt  }
0x63: {  	_ =	shalt  }
0x64: {  	_ =	shalt  }
0x65: {  	_ =	shalt  }
0x66: {  	_ =	shalt  }
0x67: {  	_ =	shalt  }
0x68: {  	_ =	shalt  }
0x69: {  	_ =	shalt  }
0x6a: {  	_ =	shalt  }
0x6b: {  	_ =	shalt  }
0x6c: {  	_ =	shalt  }
0x6d: {  	_ =	shalt  }
0x6e: {  	_ =	shalt  }
0x6f: {  	_ =	shalt  }
0x70: {  	_ =	shalt  }
0x71: {  	_ =	shalt  }
0x72: {  	_ =	shalt  }
0x73: {  	_ =	shalt  }
0x74: {  	_ =	shalt  }
0x75: {  	_ =	shalt  }
0x76: {  	_ =	shalt  }
0x77: {  	_ =	shalt  }
0x78: {  	_ =	shalt  }
0x79: {  	_ =	shalt  }
0x7a: {  	_ =	shalt  }
0x7b: {  	_ =	shalt  }
0x7c: {  	_ =	shalt  }
0x7d: {  	_ =	shalt  }
0x7e: {  	_ =	shalt  }
0x7f: {  	_ =	shalt  }
0x80: {  	_ =	shalt  }
0x81: {  	_ =	shalt  }
0x82: {  	_ =	shalt  }
0x83: {  	_ =	shalt  }
0x84: {  	_ =	shalt  }
0x85: {  	_ =	shalt  }
0x86: {  	_ =	shalt  }
0x87: {  	_ =	shalt  }
.Lfunc_end0:
.L_simem_size_0:
called_computation_lowered:
.L_overlay_start_0:
0x88: {  	s2 =	sld [smem:$0x3FD9]  }
0x89: {  	s3 =	sld [smem:$0x3FFE];
	_ =	sdelay $0x1  }
0x8a: {  	s1 =	srdreg.scid  }
0x8b: {  	s0 =	sand.u32 $0x1, s1  }
0x8c: {  	s17 =	sshll.u32 s0, $0xA;
	s2 =	sadd.s32 s3, s2  }
0x8d: {  	s2 =	sadd.s32 s2, s17  }
0x8e: {  	[smem:$0x3FC1] =	sst s2  }
0x8f: {  	_ = 	snop  }
0x90: {  	s2 =	sld [smem:$0x3FD0];
	(tm) =	ssettm $0x1  }
0x91: {  	s18 =	sld [smem:$0x3FFB];
	_ =	sdelay $0x3  }
0x92: {  	_ =	strace s18  }
0x93: {  	s3 =	sld [smem:$0x3FFC];
	_ =	sdelay $0x3  }
0x94: {  	_ =	strace s3  }
0x95: {  	s3 =	sld [smem:$0x3FFD];
	_ =	sdelay $0x3  }
0x96: {  	_ =	strace s3  }
0x97: {  	_ =	strace $0x8FFFFFFF  }
0x98: {  	s19 =	sld [smem:$0x3FDB];
	_ =	sdelay $0x1  }
0x99: {  	s4 =	simm.s32 $_scs_section_size  }
0x9a: {  	s5 =	simm.s32 $_size__tile_overlayer_lowered;
	s6 =	simm.s32 $_tile_overlayer_lowered  }
0x9b: {  	s22 =	simm.s32 $0x1BFF;
	s21 =	sshll.u32 s6, $0x1;
	s3 =	sadd.s32 s4, s19  }
0x9c: {  	s7 =	simm.s32 $0x0;
	s20 =	sshll.u32 s5, $0x1;
	s5 =	sadd.s32 s21, s3  }
0x9d: {  	[timem:s7], [sflag:s22] =	dma.local [hbm:s5], s20  }
0x9e: {  	_ =	swait.ge [sflag:s22], s20  }
0x9f: {  	s4 =	ssub.s32 $0x0, s20;
	[sflag:s22] =	ssyncset.done $0x0  }
0xa0: {  	[sflag:s22] =	ssyncadd.s32 s4;
	_ =	sdelay $0x1  }
0xa1: {  	s23 =	simm.s32 $0x1B8B  }
0xa2: {  	_ =	swait.ge [sflag:s23], $0x1  }
0xa3: {  	[sflag:s23] =	ssyncset.done $0x0  }
0xa4: {  	s25 =	simm.s32 $0x1B8E;
	s24 =	sld [smem:$0x3FFE];
	[sflag:s23] =	ssyncadd.s32 $0xFFFFFFFF  }
0xa5: {  	s26 =	simm.s32 $execute0_lowered;
	[smem:$0x3FD2] =	sst s25  }
0xa6: {  	s5 =	sshll.u32 s26, $0x1;
	_ =	strace $0x80000046;
	[dreg:$0x1] =	wrdreg $0xFFFFFFFF  }
0xa7: {  	s28 =	simm.s32 $_size_execute0_lowered;
	s3 =	sadd.s32 s3, s5;
	[dreg:$0x0] =	wrdreg $0x0  }
0xa8: {  	s5 =	sshll.u32 s28, $0x1;
	[dreg:$0x2] =	wrdreg s3  }
0xa9: {  	[dreg:$0x3] =	wrdreg s5  }
0xaa: {  	[dreg:$0x4] =	wrdreg $0xC0  }
0xab: {  	_ =	task [dreg:s7], $0x5FFFF  }
0xac: {  	[dreg:$0x1] =	wrdreg $0xFFFFFFFF  }
0xad: {  	[dreg:$0x0] =	wrdreg $0x60  }
0xae: {  	[dreg:$0x2] =	wrdreg s24  }
0xaf: {  	[dreg:$0x3] =	wrdreg s2  }
0xb0: {  	[dreg:$0x4] =	wrdreg $0x120800  }
0xb1: {  	[dreg:$0x5] =	wrdreg $0x9  }
0xb2: {  	_ =	task.clear_ibuf [dreg:s7], $0x6FFFF;
	_ =	strace $0x90000046  }
0xb3: {  	s29 =	simm.s32 $0x9;
	_ =	strace $0x80000048  }
0xb4: {  	_ =	swait.ge [sflag:s29], $0x1  }
0xb5: {  	[sflag:s29] =	ssyncadd.s32 $0xFFFFFFFF  }
0xb6: {  	_ =	strace $0x90000048  }
0xb7: {  	_ =	sfence  }
0xb8: {  	s30 =	sld [smem:$0x0];
	_ =	sdelay $0x2  }
0xb9: {  	s31 =	sshll.u32 s1, $0xD;
	s1 =	sshrl.u32 s1, $0x2  }
0xba: {  	s3 =	sand.u32 $0x4000, s31;
	s1 =	sadd.s32 s1, s30  }
0xbb: {  	s0 =	sor.u32 s3, s0;
	s1 =	sshll.u32 s1, $0x11  }
0xbc: {  	s0 =	sor.u32 s1, s0  }
0xbd: {  	s0 =	sadd.s32 $0x8F2B, s0  }
0xbe: {  	[sflag:s0] =	ssyncadd.remote.s32 $0x1  }
0xbf: {  	_ =	sfence.sel $0xFFFF  }
0xc0: {  	[dreg:$0x0] =	wrdreg $0xFFFFFFFF;
	(pc) =	sbr.abs _section_cstart, $3  }
0xc1: {  	[dreg:$0x1] =	wrdreg $0xFFFFFFFF  }
0xc2: {  	_ =	task.clear_ibuf [dreg:s7], $0x2FFFF;
	_ =	strace $0x9FFFFFFF  }
0xc3: {  	(tm) =	ssettm $0x7FFFFFFF  }
tec
execute0_lowered:
.L_overlay_start_1:
0x0: {  	(tag) =	ssettag $0x1  }
0x1: {  	s5 =	rddreg [dreg:$0x0]  }
0x2: {  	s1 =	srdreg.scid;
	s16 =	rddreg [dreg:$0x1]  }
0x3: {  	s0 =	stileid.u32;
	s2 =	rddreg [dreg:$0x2]  }
0x4: {  	s3 =	simm.s32 $0x0;
	s20 =	simm.s32 $0x5000;
	s8 =	smul.u32 $0xA00, s0  }
0x5: {  	s21 =	simm.s32 $0x80;
	s22 =	simm.s32 $0xA000;
	s29 =	smul.u32 $0x29000, s0  }
0x6: {  	s24 =	simm.s32 $0x400;
	s6 =	sand.u32 $0x1, s1;
	s10 =	smul.u32 $0xA400, s0  }
0x7: {  	s7 =	sshrl.u32 s0, $0x3;
	s1 =	rddreg [dreg:$0x3];
	s4 =	smul.u32 $0x14800, s6  }
0x8: {  	s25 =	simm.s32 $0x0;
	[smem:$0x7FF] =	sst s3;
	s7 =	smul.u32 $0xA400, s7  }
0x9: {  	s9 =	sshll.u32 s0, $0x7;
	_ =	strace $0x80000047;
	s23 =	smul.u32 $0x1400, s6  }
0xa: {  	s9 =	sand.u32 $0x380, s9;
	s28 =	ssub.s32 $0x2, s6;
	s15 =	smul.u32 $0xA4000, s6  }
0xb: {  	s11 =	sadd.s32 s8, s5;
	s30 =	sshrl.u32 s28, $0x1;
	s31 =	sshrl.u32 s29, $0x2  }
0xc: {  	s14 =	sadd.s32 $0x2800, s10;
	s18 =	sadd.s32 $0x5000, s10;
	s19 =	sadd.s32 $0x7800, s10  }
0xd: {  	s7 =	sadd.s32 s4, s7;
	s4 =	sadd.s32 $0x1FE00, s5;
	s17 =	ssub.s32 s28, s30  }
0xe: {  	s6 =	sadd.s32 s14, s2;
	s8 =	sadd.s32 s19, s2;
	s13 =	sadd.s32 s10, s15  }
0xf: {  	s10 =	sadd.s32 $0x1E00, s11;
	s14 =	sadd.s32 s15, s14;
	v0 =	vmov s23;
	s23 =	simm.s32 $0x10C00  }
0x10: {  	s7 =	sor.u32 s9, s7;
	s9 =	sadd.s32 $0x15E00, s11;
	s13 =	sshrl.u32 s13, $0x3  }
0x11: {  	s11 =	sadd.s32 $0xBE00, s11;
	s14 =	sshrl.u32 s14, $0x3;
	s17 =	smax.u32 s17, $0x1  }
0x12: {  	s7 =	sshrl.u32 s7, $0x3;
	s13 =	sadd.s32 s16, s13;
	s14 =	sadd.s32 s16, s14  }
0x13: {  	s12 =	sadd.s32 s7, s5;
	s7 =	sadd.s32 s18, s2;
	s18 =	sadd.s32 s15, s18  }
0x14: {  	s5 =	sadd.s32 s31, s2;
	s15 =	sadd.s32 s15, s19;
	s18 =	sshrl.u32 s18, $0x3  }
0x15: {  	s12 =	sadd.s32 $0xBC200, s12;
	s19 =	sshrl.u32 s15, $0x3;
	s15 =	sadd.s32 s16, s18  }
0x16: {  	v1 =	vimm.f32 $0.0e+00;
	s16 =	sadd.s32 s16, s19;
	s18 =	simm.s32 $0xE000;
	s19 =	simm.s32 $0x1  }
.LBB2_1:
0x17: {  	s26 =	simm.s32 $0x0;
	s28 =	simm.s32 $0x200  }
.LBB2_2:
0x18: {  	p0 =	sne.s32 s28, $0xAE00;
	[tilespmem:s26+$0xE070] =	vst v1  }
0x19: {  	[tilespmem:s26+$0xE000] =	vst v1  }
0x1a: {  	[tilespmem:s26+$0xE010] =	vst v1  }
.Ltmp0:
0x1b: {  	[tilespmem:s26+$0xE020] =	vst v1;
	(pc) =	sbr.rel @p0 .LBB2_2-.Ltmp0, $4  }
0x1c: {  	[tilespmem:s26+$0xE030] =	vst v1  }
0x1d: {  	[tilespmem:s26+$0xE040] =	vst v1  }
0x1e: {  	[tilespmem:s26+$0xE050] =	vst v1  }
0x1f: {  	[tilespmem:s26+$0xE060] =	vst v1;
	s26 =	sshra.s32 s28, $0x2;
	s28 =	sadd.s32 $0x200, s28  }
0x20: {  	[tilespmem:s26+$0xE070] =	vst v1  }
0x21: {  	[tilespmem:s26+$0xE000] =	vst v1  }
0x22: {  	[tilespmem:s26+$0xE010] =	vst v1  }
0x23: {  	[tilespmem:s26+$0xE020] =	vst v1  }
0x24: {  	[tilespmem:s26+$0xE030] =	vst v1  }
0x25: {  	[tilespmem:s26+$0xE040] =	vst v1  }
0x26: {  	[tilespmem:s26+$0xE050] =	vst v1  }
0x27: {  	[tilespmem:s26+$0xE060] =	vst v1  }
0x28: {  	[spmem:s5] =	stream.linear.scatter [tilespmem:s18], [sflag:$0x1], $0x2800, $0x38;
	[tilespmem:$0x1C480] =	vst v63  }
0x29: {  	_ =	swait.ge [sflag:s19], $0x2800  }
0x2a: {  	[sflag:s19] =	ssyncset.done $0x0  }
0x2b: {  	[sflag:s19] =	ssyncadd.s32 $0xFFFFD800  }
0x2c: {  	[spmem:s6] =	stream.linear.scatter [tilespmem:s18], [sflag:$0x1], $0x2800, $0x38;
	[tilespmem:$0x1C480] =	vst v63  }
0x2d: {  	_ =	swait.ge [sflag:s19], $0x2800  }
0x2e: {  	[sflag:s19] =	ssyncset.done $0x0  }
0x2f: {  	[sflag:s19] =	ssyncadd.s32 $0xFFFFD800  }
0x30: {  	[spmem:s7] =	stream.linear.scatter [tilespmem:s18], [sflag:$0x1], $0x2800, $0x38;
	[tilespmem:$0x1C480] =	vst v63  }
0x31: {  	_ =	swait.ge [sflag:s19], $0x2800  }
0x32: {  	[sflag:s19] =	ssyncset.done $0x0  }
0x33: {  	[sflag:s19] =	ssyncadd.s32 $0xFFFFD800  }
0x34: {  	[spmem:s8] =	stream.linear.scatter [tilespmem:s18], [sflag:$0x1], $0x2C00, $0x38;
	[tilespmem:$0x1C480] =	vst v63  }
0x35: {  	_ =	swait.ge [sflag:s19], $0x2C00  }
0x36: {  	[sflag:s19] =	ssyncset.done $0x0  }
0x37: {  	s26 =	simm.s32 $0x40;
	s28 =	simm.s32 $0x0;
	[sflag:s19] =	ssyncadd.s32 $0xFFFFD400  }
.LBB2_4:
0x38: {  	p0 =	sne.s32 s26, $0x51C0;
	[tilespmem:s28+$0x10C00] =	vst v1;
	s28 =	smov.u32 s26;
	s26 =	sadd.s32 $0x40, s26  }
.Ltmp1:
0x39: {  	(pc) =	sbr.rel @p0 .LBB2_4-.Ltmp1, $2  }
0x3a: {  	_ =	sdelay $0x2  }
0x3b: {  	s28 =	sshra.s32 s28, $0x2  }
0x3c: {  	[tilespmem:s28+$0x10C00] =	vst v1;
	s26 =	simm.s32 $0x0  }
0x3d: {  	[tilespmem:s26], [sflag:$0x1] =	stream.linear.gather [hbm4b:s9+s26], $0x5000, $0x38;
	[tilespmem:$0x1C480] =	vst v63  }
0x3e: {  	_ =	swait.ge [sflag:s19], $0x5000  }
0x3f: {  	[sflag:s19] =	ssyncset.done $0x0  }
0x40: {  	[sflag:s19] =	ssyncadd.s32 $0xFFFFB000  }
0x41: {  	[tilespmem:s20], [sflag:$0x1] =	stream.linear.gather [hbm4b:s10+s26], $0x5000, $0x38;
	[tilespmem:$0x1C480] =	vst v63  }
0x42: {  	_ =	swait.ge [sflag:s19], $0x5000  }
0x43: {  	[sflag:s19] =	ssyncset.done $0x0  }
0x44: {  	s26 =	simm.s32 $0x0;
	[sflag:s19] =	ssyncadd.s32 $0xFFFFB000  }
0x45: {  	v8 =	vld [tilespmem:s26+$0x5000]  }
0x46: {  	v13 =	vld [tilespmem:s26+$0x5010]  }
0x47: {  	v7 =	vld [tilespmem:s26+$0x5020]  }
0x48: {  	v6 =	vld [tilespmem:s26+$0x5030]  }
0x49: {  	v5 =	vld [tilespmem:s26+$0x5040]  }
0x4a: {  	v4 =	vld [tilespmem:s26+$0x5050]  }
0x4b: {  	v3 =	vld [tilespmem:s26+$0x5060]  }
0x4c: {  	v2 =	vld [tilespmem:s26+$0x5070]  }
0x4d: {  	v12 =	vld [tilespmem:s26+$0x0]  }
0x4e: {  	v11 =	vld [tilespmem:s26+$0x10]  }
0x4f: {  	v10 =	vld [tilespmem:s26+$0x20]  }
0x50: {  	v9 =	vld [tilespmem:s26+$0x30];
	v14 =	vmul.u32 $0x2710, v8  }
0x51: {  	s28 =	simm.s32 $0x200;
	v13 =	vmul.u32 $0x2710, v13;
	v8 =	vld [tilespmem:s26+$0x40]  }
.LBB2_6:
0x52: {  	p0 =	sne.s32 s28, $0x13E00;
	v12 =	vadd.s32 v12, v14;
	v7 =	vmul.u32 $0x2710, v7;
	v14 =	vld [tilespmem:s26+$0x50]  }
0x53: {  	v6 =	vmul.u32 $0x2710, v6;
	[tilespmem:s26+$0x0] =	vst v12;
	v11 =	vadd.s32 v11, v13;
	v12 =	vld [tilespmem:s26+$0x60]  }
0x54: {  	s29 =	sshra.s32 s28, $0x2;
	v5 =	vmul.u32 $0x2710, v5;
	[tilespmem:s26+$0x10] =	vst v11;
	v7 =	vadd.s32 v10, v7;
	v10 =	vld [tilespmem:s26+$0x70]  }
0x55: {  	v4 =	vmul.u32 $0x2710, v4;
	v13 =	vld [tilespmem:s29+$0x5000];
	[tilespmem:s26+$0x20] =	vst v7;
	v6 =	vadd.s32 v9, v6  }
0x56: {  	v3 =	vmul.u32 $0x2710, v3;
	v15 =	vld [tilespmem:s29+$0x5010];
	[tilespmem:s26+$0x30] =	vst v6;
	v5 =	vadd.s32 v8, v5  }
0x57: {  	v2 =	vmul.u32 $0x2710, v2;
	v7 =	vld [tilespmem:s29+$0x5020];
	[tilespmem:s26+$0x40] =	vst v5;
	v4 =	vadd.s32 v14, v4  }
0x58: {  	v6 =	vld [tilespmem:s29+$0x5030];
	[tilespmem:s26+$0x50] =	vst v4;
	v3 =	vadd.s32 v12, v3  }
0x59: {  	v5 =	vld [tilespmem:s29+$0x5040];
	[tilespmem:s26+$0x60] =	vst v3;
	v2 =	vadd.s32 v10, v2  }
0x5a: {  	v4 =	vld [tilespmem:s29+$0x5050];
	[tilespmem:s26+$0x70] =	vst v2;
	s26 =	smov.u32 s29  }
0x5b: {  	v3 =	vld [tilespmem:s26+$0x5060]  }
0x5c: {  	v2 =	vld [tilespmem:s26+$0x5070]  }
.Ltmp2:
0x5d: {  	v12 =	vld [tilespmem:s26+$0x0];
	(pc) =	sbr.rel @p0 .LBB2_6-.Ltmp2, $4  }
0x5e: {  	v11 =	vld [tilespmem:s26+$0x10]  }
0x5f: {  	v10 =	vld [tilespmem:s26+$0x20]  }
0x60: {  	v14 =	vmul.u32 $0x2710, v13;
	v9 =	vld [tilespmem:s26+$0x30]  }
0x61: {  	s28 =	sadd.s32 $0x200, s28;
	v13 =	vmul.u32 $0x2710, v15;
	v8 =	vld [tilespmem:s26+$0x40]  }
0x62: {  	v12 =	vadd.s32 v12, v14;
	v62 =	vld [tilespmem:s26+$0x50];
	v7 =	vmul.u32 $0x2710, v7  }
0x63: {  	v63 =	vld [tilespmem:s26+$0x60];
	v6 =	vmul.u32 $0x2710, v6;
	[tilespmem:s26+$0x0] =	vst v12;
	v11 =	vadd.s32 v11, v13  }
0x64: {  	v5 =	vmul.u32 $0x2710, v5;
	[tilespmem:s26+$0x10] =	vst v11;
	v7 =	vadd.s32 v10, v7;
	v10 =	vld [tilespmem:s26+$0x70]  }
0x65: {  	v4 =	vmul.u32 $0x2710, v4;
	[tilespmem:s26+$0x20] =	vst v7;
	v6 =	vadd.s32 v9, v6  }
0x66: {  	v3 =	vmul.u32 $0x2710, v3;
	[tilespmem:s26+$0x30] =	vst v6;
	v5 =	vadd.s32 v8, v5  }
0x67: {  	v2 =	vmul.u32 $0x2710, v2;
	[tilespmem:s26+$0x40] =	vst v5;
	v4 =	vadd.s32 v62, v4  }
0x68: {  	v3 =	vadd.s32 v63, v3;
	[tilespmem:s26+$0x50] =	vst v4  }
0x69: {  	[tilespmem:s26+$0x60] =	vst v3;
	v2 =	vadd.s32 v10, v2  }
0x6a: {  	s31 =	simm.s32 $0x0;
	[tilespmem:s26+$0x70] =	vst v2  }
0x6b: {  	[tilespmem:s20], [sflag:$0x1] =	stream.linear.gather [hbm4b:s11+s31], $0x5000, $0x38;
	[tilespmem:$0x1C480] =	vst v63  }
0x6c: {  	_ =	swait.ge [sflag:s19], $0x5000  }
0x6d: {  	[sflag:s19] =	ssyncset.done $0x0  }
0x6e: {  	s26 =	simm.s32 $0x0;
	[sflag:s19] =	ssyncadd.s32 $0xFFFFB000  }
0x6f: {  	v3 =	vld [tilespmem:s26+$0x5000]  }
0x70: {  	v4 =	vld [tilespmem:s26+$0x5010]  }
0x71: {  	v6 =	vld [tilespmem:s26+$0x5020]  }
0x72: {  	v5 =	vld [tilespmem:s26+$0x5030]  }
0x73: {  	v2 =	vld [tilespmem:s26+$0x5040]  }
0x74: {  	v7 =	vsub.s32 v3, v0;
	v3 =	vld [tilespmem:s26+$0x5050]  }
0x75: {  	s28 =	simm.s32 $0x200;
	v8 =	vsub.s32 v4, v0;
	v4 =	vld [tilespmem:s26+$0x5060];
	v7 =	vmin.u32 v7, $0x1400  }
.LBB2_8:
0x76: {  	s29 =	sshra.s32 s28, $0x2;
	p0 =	sne.s32 s28, $0x13E00;
	[tilespmem:s26+$0x5000] =	vst v7;
	v7 =	vmin.u32 v8, $0x1400;
	v6 =	vsub.s32 v6, v0;
	v8 =	vld [tilespmem:s26+$0x5070]  }
0x77: {  	v9 =	vld [tilespmem:s29+$0x5000];
	[tilespmem:s26+$0x5010] =	vst v7;
	v6 =	vmin.u32 v6, $0x1400;
	v5 =	vsub.s32 v5, v0  }
0x78: {  	v10 =	vld [tilespmem:s29+$0x5010];
	[tilespmem:s26+$0x5020] =	vst v6;
	v5 =	vmin.u32 v5, $0x1400;
	v2 =	vsub.s32 v2, v0  }
.Ltmp3:
0x79: {  	v6 =	vld [tilespmem:s29+$0x5020];
	[tilespmem:s26+$0x5030] =	vst v5;
	v2 =	vmin.u32 v2, $0x1400;
	v3 =	vsub.s32 v3, v0;
	(pc) =	sbr.rel @p0 .LBB2_8-.Ltmp3, $4  }
0x7a: {  	v5 =	vld [tilespmem:s29+$0x5030];
	[tilespmem:s26+$0x5040] =	vst v2;
	v3 =	vmin.u32 v3, $0x1400;
	v4 =	vsub.s32 v4, v0  }
0x7b: {  	v2 =	vld [tilespmem:s29+$0x5040];
	[tilespmem:s26+$0x5050] =	vst v3;
	v4 =	vmin.u32 v4, $0x1400;
	v7 =	vsub.s32 v8, v0  }
0x7c: {  	v8 =	vsub.s32 v9, v0;
	v3 =	vld [tilespmem:s29+$0x5050];
	[tilespmem:s26+$0x5060] =	vst v4;
	v9 =	vmin.u32 v7, $0x1400  }
0x7d: {  	s28 =	sadd.s32 $0x200, s28;
	v7 =	vmin.u32 v8, $0x1400;
	v8 =	vsub.s32 v10, v0;
	v4 =	vld [tilespmem:s29+$0x5060];
	[tilespmem:s26+$0x5070] =	vst v9;
	s26 =	smov.u32 s29  }
0x7e: {  	[tilespmem:s26+$0x5000] =	vst v7;
	v62 =	vmin.u32 v8, $0x1400;
	v6 =	vsub.s32 v6, v0;
	v63 =	vld [tilespmem:s26+$0x5070]  }
0x7f: {  	[tilespmem:s26+$0x5010] =	vst v62;
	v6 =	vmin.u32 v6, $0x1400;
	v5 =	vsub.s32 v5, v0  }
0x80: {  	[tilespmem:s26+$0x5020] =	vst v6;
	v5 =	vmin.u32 v5, $0x1400;
	v2 =	vsub.s32 v2, v0  }
0x81: {  	[tilespmem:s26+$0x5030] =	vst v5;
	v2 =	vmin.u32 v2, $0x1400;
	v3 =	vsub.s32 v3, v0  }
0x82: {  	[tilespmem:s26+$0x5040] =	vst v2;
	v2 =	vmin.u32 v3, $0x1400;
	v3 =	vsub.s32 v4, v0  }
0x83: {  	[tilespmem:s26+$0x5050] =	vst v2;
	v2 =	vmin.u32 v3, $0x1400;
	v3 =	vsub.s32 v63, v0  }
0x84: {  	[tilespmem:s26+$0x5060] =	vst v2;
	v2 =	vmin.u32 v3, $0x1400  }
0x85: {  	[tilespmem:s26+$0x5070] =	vst v2  }
0x86: {  	s26 =	simm.s32 $0x0;
	[bflag:$0x0] =	sbarrier.arrive $0xFFFF  }
.LBB2_10:
0x87: {  	s28 =	sshra.s32 s26, $0x2  }
0x88: {  	[tilespmem:s22], [sflag:$0x1] =	stream.indirect.gather [hbm4b:s4+s21], $0x80, s28, s21, $0xb8;
	[tilespmem:$0x1C480] =	vst v63  }
0x89: {  	_ =	swait.ge [sflag:s19], $0x4000  }
0x8a: {  	[sflag:s19] =	ssyncset.done $0x0  }
0x8b: {  	s29 =	sadd.s32 $0x5000, s28;
	[sflag:s19] =	ssyncadd.s32 $0xFFFFC000  }
0x8c: {  	[spmem:s2] =	stream.indirect.scatter.add.f32 [tilespmem:s22], [sflag:$0x1], $0x80, s29, s21, $0xb8;
	[tilespmem:$0x1C480] =	vst v63  }
0x8d: {  	_ =	swait.ge [sflag:s19], $0x4000  }
0x8e: {  	[sflag:s19] =	ssyncset.done $0x0  }
0x8f: {  	[sflag:s19] =	ssyncadd.s32 $0xFFFFC000  }
0x90: {  	v2 =	vld [tilespmem:s28+$0x5000];
	_ =	sdelay $0x4  }
0x91: {  	(xrf1) =	vunique.msk.u32 $0xffff, v2;
	_ =	sdelay $0xd  }
0x92: {  	_, v3, vm0 =	vpop (xrf1);
	_ =	sdelay $0x3  }
0x93: {  	v3 =	vcvt.s32.f32 v3;
	_ =	sdelay $0x1  }
0x94: {  	[tilespmem:v2+s23+$0x0] =	vst.idx.add.f32.msk vm0, v3  }
0x95: {  	v2 =	vld [tilespmem:s28+$0x5010];
	_ =	sdelay $0x4  }
0x96: {  	(xrf1) =	vunique.msk.u32 $0xffff, v2;
	_ =	sdelay $0xd  }
0x97: {  	_, v3, vm0 =	vpop (xrf1);
	_ =	sdelay $0x3  }
0x98: {  	v3 =	vcvt.s32.f32 v3;
	_ =	sdelay $0x1  }
0x99: {  	[tilespmem:v2+s23+$0x0] =	vst.idx.add.f32.msk vm0, v3  }
0x9a: {  	v2 =	vld [tilespmem:s28+$0x5020];
	_ =	sdelay $0x4  }
0x9b: {  	(xrf1) =	vunique.msk.u32 $0xffff, v2;
	_ =	sdelay $0xd  }
0x9c: {  	_, v3, vm0 =	vpop (xrf1);
	_ =	sdelay $0x3  }
0x9d: {  	v3 =	vcvt.s32.f32 v3;
	_ =	sdelay $0x1  }
0x9e: {  	[tilespmem:v2+s23+$0x0] =	vst.idx.add.f32.msk vm0, v3  }
0x9f: {  	v2 =	vld [tilespmem:s28+$0x5030];
	_ =	sdelay $0x4  }
0xa0: {  	(xrf1) =	vunique.msk.u32 $0xffff, v2;
	_ =	sdelay $0xd  }
0xa1: {  	_, v3, vm0 =	vpop (xrf1);
	_ =	sdelay $0x3  }
0xa2: {  	v3 =	vcvt.s32.f32 v3;
	_ =	sdelay $0x1  }
0xa3: {  	[tilespmem:v2+s23+$0x0] =	vst.idx.add.f32.msk vm0, v3  }
0xa4: {  	v2 =	vld [tilespmem:s28+$0x5040];
	_ =	sdelay $0x4  }
0xa5: {  	(xrf1) =	vunique.msk.u32 $0xffff, v2;
	_ =	sdelay $0xd  }
0xa6: {  	_, v3, vm0 =	vpop (xrf1);
	_ =	sdelay $0x3  }
0xa7: {  	v3 =	vcvt.s32.f32 v3;
	_ =	sdelay $0x1  }
0xa8: {  	[tilespmem:v2+s23+$0x0] =	vst.idx.add.f32.msk vm0, v3  }
0xa9: {  	v2 =	vld [tilespmem:s28+$0x5050];
	_ =	sdelay $0x4  }
0xaa: {  	(xrf1) =	vunique.msk.u32 $0xffff, v2;
	_ =	sdelay $0xd  }
0xab: {  	_, v3, vm0 =	vpop (xrf1);
	_ =	sdelay $0x3  }
0xac: {  	v3 =	vcvt.s32.f32 v3;
	_ =	sdelay $0x1  }
0xad: {  	[tilespmem:v2+s23+$0x0] =	vst.idx.add.f32.msk vm0, v3  }
0xae: {  	v2 =	vld [tilespmem:s28+$0x5060];
	_ =	sdelay $0x4  }
0xaf: {  	(xrf1) =	vunique.msk.u32 $0xffff, v2;
	_ =	sdelay $0xd  }
0xb0: {  	_, v3, vm0 =	vpop (xrf1);
	_ =	sdelay $0x3  }
0xb1: {  	v3 =	vcvt.s32.f32 v3;
	_ =	sdelay $0x1  }
0xb2: {  	[tilespmem:v2+s23+$0x0] =	vst.idx.add.f32.msk vm0, v3  }
0xb3: {  	v2 =	vld [tilespmem:s28+$0x5070];
	_ =	sdelay $0x4  }
0xb4: {  	(xrf1) =	vunique.msk.u32 $0xffff, v2;
	_ =	sdelay $0xd  }
0xb5: {  	_, v3, vm0 =	vpop (xrf1)  }
0xb6: {  	p0 =	sne.s32 s26, $0x13E00  }
.Ltmp4:
0xb7: {  	_ = 	snop;
	(pc) =	sbr.rel @p0 .LBB2_10-.Ltmp4, $3  }
0xb8: {  	_ = 	snop  }
0xb9: {  	v3 =	vcvt.s32.f32 v3;
	_ =	sdelay $0x1  }
0xba: {  	s26 =	sadd.s32 $0x200, s26;
	[tilespmem:v2+s23+$0x0] =	vst.idx.add.f32.msk vm0, v3  }
0xbb: {  	[hbm4b:s12+s21] =	stream.strided.scatter [tilespmem:s23], [sflag:$0x1], $0x1480, s24, s21, $0x38;
	[tilespmem:$0x1C480] =	vst v63  }
0xbc: {  	_ =	swait.ge [sflag:s19], $0x1480  }
0xbd: {  	[sflag:s19] =	ssyncset.done $0x0  }
0xbe: {  	[sflag:s19] =	ssyncadd.s32 $0xFFFFEB80  }
0xbf: {  	[bflag:$0x0] =	sbarrier.arrive $0xFFFF  }
0xc0: {  	[tilespmem:s18], [sflag:$0x1] =	stream.linear.gather [spmem:s5], $0x2800, $0x38;
	[tilespmem:$0x1C480] =	vst v63  }
0xc1: {  	_ =	swait.ge [sflag:s19], $0x2800  }
0xc2: {  	[sflag:s19] =	ssyncset.done $0x0  }
0xc3: {  	[sflag:s19] =	ssyncadd.s32 $0xFFFFD800  }
0xc4: {  	[hbm4b:s13+s3] =	stream.linear.scatter [tilespmem:s18], [sflag:$0x1], $0x2800, $0x38;
	[tilespmem:$0x1C480] =	vst v63  }
0xc5: {  	_ =	swait.ge [sflag:s19], $0x2800  }
0xc6: {  	[sflag:s19] =	ssyncset.done $0x0  }
0xc7: {  	[sflag:s19] =	ssyncadd.s32 $0xFFFFD800  }
0xc8: {  	[tilespmem:s18], [sflag:$0x1] =	stream.linear.gather [spmem:s6], $0x2800, $0x38;
	[tilespmem:$0x1C480] =	vst v63  }
0xc9: {  	_ =	swait.ge [sflag:s19], $0x2800  }
0xca: {  	[sflag:s19] =	ssyncset.done $0x0  }
0xcb: {  	[sflag:s19] =	ssyncadd.s32 $0xFFFFD800  }
0xcc: {  	[hbm4b:s14+s3] =	stream.linear.scatter [tilespmem:s18], [sflag:$0x1], $0x2800, $0x38;
	[tilespmem:$0x1C480] =	vst v63  }
0xcd: {  	_ =	swait.ge [sflag:s19], $0x2800  }
0xce: {  	[sflag:s19] =	ssyncset.done $0x0  }
0xcf: {  	[sflag:s19] =	ssyncadd.s32 $0xFFFFD800  }
0xd0: {  	[tilespmem:s18], [sflag:$0x1] =	stream.linear.gather [spmem:s7], $0x2800, $0x38;
	[tilespmem:$0x1C480] =	vst v63  }
0xd1: {  	_ =	swait.ge [sflag:s19], $0x2800  }
0xd2: {  	[sflag:s19] =	ssyncset.done $0x0  }
0xd3: {  	[sflag:s19] =	ssyncadd.s32 $0xFFFFD800  }
0xd4: {  	[hbm4b:s15+s3] =	stream.linear.scatter [tilespmem:s18], [sflag:$0x1], $0x2800, $0x38;
	[tilespmem:$0x1C480] =	vst v63  }
0xd5: {  	_ =	swait.ge [sflag:s19], $0x2800  }
0xd6: {  	[sflag:s19] =	ssyncset.done $0x0  }
0xd7: {  	[sflag:s19] =	ssyncadd.s32 $0xFFFFD800  }
0xd8: {  	[tilespmem:s18], [sflag:$0x1] =	stream.linear.gather [spmem:s8], $0x2C00, $0x38;
	[tilespmem:$0x1C480] =	vst v63  }
0xd9: {  	s25 =	sadd.s32 $0x1, s25;
	_ =	swait.ge [sflag:s19], $0x2C00  }
0xda: {  	p0 =	sne.s32 s25, s17;
	[sflag:s19] =	ssyncset.done $0x0  }
.Ltmp5:
0xdb: {  	[sflag:s19] =	ssyncadd.s32 $0xFFFFD400;
	(pc) =	sbr.rel @p0 .LBB2_1-.Ltmp5, $4  }
0xdc: {  	[hbm4b:s16+s3] =	stream.linear.scatter [tilespmem:s18], [sflag:$0x1], $0x2C00, $0x38;
	[tilespmem:$0x1C480] =	vst v63  }
0xdd: {  	_ =	swait.ge [sflag:s19], $0x2C00  }
0xde: {  	[sflag:s19] =	ssyncset.done $0x0  }
0xdf: {  	[sflag:s19] =	ssyncadd.s32 $0xFFFFD400  }
0xe0: {  	_ =	sfence.sel $0x180000  }
0xe1: {  	[bflag:$0x0] =	sbarrier.arrive $0xFFFF  }
0xe2: {  	p0 =	sne.s32 s0, $0x0;
	_ =	strace $0x90000047  }
0xe3: {  	s0 =	sadd.s32 @!p0 $0x100000, s1;
	[bflag:$0x2] =	sbarrier.arrive $0xFFFF  }
0xe4: {  	[sflag:s0] =	ssyncadd.tile.s32 @!p0 $0x1;
	_ =	shalt  }
.Lfunc_end2:
_tile_overlayer_lowered:
.L_overlay_start_2:
0xe5: {  	(tag) =	ssettag $0x2  }
0xe6: {  	s0 =	rddreg [dreg:$0x0];
	s2 =	stileid.u32  }
0xe7: {  	s1 =	rddreg [dreg:$0x1];
	p0 =	sne.s32 s2, $0x0  }
0xe8: {  	s3 =	rddreg [dreg:$0x2];
	[bflag:$0x3] =	sbarrier.arrive $0xFFFF;
	s2 =	simm.s32 @!p0 $0x1C01  }
0xe9: {  	[timem:s3], [sflag:s2] =	dma.local @!p0 [hbm:s0], s1  }
0xea: {  	s0 =	simm.s32 @!p0 $0x1  }
0xeb: {  	_ =	swait.ge @!p0 [sflag:s0], s1  }
0xec: {  	s1 =	ssub.s32 @!p0 $0x0, s1;
	[sflag:s0] =	ssyncset.done @!p0 $0x0  }
0xed: {  	[sflag:s0] =	ssyncadd.s32 @!p0 s1  }
0xee: {  	[bflag:$0x3] =	sbarrier.arrive $0xFFFF  }
0xef: {  	_ =	shalt  }

</sc_bundles>
